<compile_context>
chip_gen: v7x
topology: tpu7x:2x2x1
jax: 0.10.2.dev20260603
libtpu: 0.0.44.dev20260713+nightly
codegen_flags: <defaults>
</compile_context>

<pallas_src>
import jax
import jax.numpy as jnp
from jax import lax
from jax.experimental import pallas as pl
from jax.experimental.pallas import tpu as pltpu
from jax.experimental.pallas import tpu_sc as plsc

_N = 10000
_E = 320000
_F_IN = 128
_HID = 256
_CLS = 64

_NC = 2
_NS = 16
_NW = _NC * _NS
_NP = 10240
_RPT = _NP // _NS
_D1 = 136

_CHUNK1 = 80
_NCHUNK1 = _E // _NW // _CHUNK1
_CHUNK2 = 128
_NCHUNK2 = 79
_EP2 = _NW * _NCHUNK2 * _CHUNK2


def _sc_segsum(table, row_r, col_r, zeros_rt, d, chunk, nchunk):
    mesh = plsc.VectorSubcoreMesh(core_axis_name="c", subcore_axis_name="s")

    def body(table_hbm, row_hbm, col_hbm, zero_hbm, out_hbm,
             row_v, col_v, buf_a, buf_b, acc, sem_a, sem_b):
        c = lax.axis_index("c")
        s = lax.axis_index("s")
        pltpu.sync_copy(zero_hbm, acc.at[pl.ds(s * _RPT, _RPT)])
        pltpu.sync_copy(row_hbm.at[c, s], row_v)
        pltpu.sync_copy(col_hbm.at[c, s], col_v)
        plsc.subcore_barrier()

        pltpu.async_copy(table_hbm.at[row_v.at[0]], buf_a, sem_a)
        pairs_end = nchunk - 1 if nchunk % 2 else nchunk

        @pl.loop(0, pairs_end, step=2)
        def pair(j):
            pltpu.async_copy(table_hbm.at[row_v.at[j + 1]], buf_b, sem_b)
            pltpu.make_async_copy(table_hbm.at[row_v.at[j]], buf_a, sem_a).wait()
            pltpu.sync_copy(buf_a, acc.at[col_v.at[j]], add=True)

            @pl.when(j + 2 < nchunk)
            def _():
                pltpu.async_copy(table_hbm.at[row_v.at[j + 2]], buf_a, sem_a)

            pltpu.make_async_copy(table_hbm.at[row_v.at[j + 1]], buf_b,
                                  sem_b).wait()
            pltpu.sync_copy(buf_b, acc.at[col_v.at[j + 1]], add=True)

        if nchunk % 2:
            pltpu.make_async_copy(table_hbm.at[row_v.at[nchunk - 1]], buf_a,
                                  sem_a).wait()
            pltpu.sync_copy(buf_a, acc.at[col_v.at[nchunk - 1]], add=True)

        plsc.subcore_barrier()
        pltpu.sync_copy(acc.at[pl.ds(s * _RPT, _RPT)],
                        out_hbm.at[c, pl.ds(s * _RPT, _RPT)])

    f = pl.kernel(
        body,
        out_type=jax.ShapeDtypeStruct((_NC, _NP, d), jnp.float32),
        mesh=mesh,
        scratch_types=[
            pltpu.VMEM((nchunk, chunk), jnp.int32),
            pltpu.VMEM((nchunk, chunk), jnp.int32),
            pltpu.VMEM((chunk, d), jnp.float32),
            pltpu.VMEM((chunk, d), jnp.float32),
            pltpu.VMEM_SHARED((_NP, d), jnp.float32),
            pltpu.SemaphoreType.DMA,
            pltpu.SemaphoreType.DMA,
        ],
        compiler_params=pltpu.CompilerParams(use_tc_tiling_on_sc=False),
    )
    return f(table, row_r, col_r, zeros_rt)


def _table1_body(x_ref, t_ref):
    x = x_ref[...]
    nnz = jnp.sum((x != 0.0).astype(jnp.float32), axis=1)
    fs = 1.0 - nnz / _F_IN
    fe = -jnp.sum(x * jnp.log(x + 1e-15), axis=1)
    fs = (fs - jnp.min(fs)) / (jnp.max(fs) - jnp.min(fs))
    fe = (fe - jnp.min(fe)) / (jnp.max(fe) - jnp.min(fe))
    pad = jnp.zeros((x.shape[0], _D1 - _F_IN - 2), jnp.float32)
    t_ref[...] = jnp.concatenate([x, fs[:, None], fe[:, None], pad], axis=1)


_NB = 10
_BB = _N // _NB


def _layer1_body(p_hbm, w1_ref, w2_ref, y_ref,
                 buf0, buf1, h_scr, fs_scr, fe_scr, sem0, sem1):
    bufs, sems = (buf0, buf1), (sem0, sem1)
    pltpu.async_copy(p_hbm.at[:, pl.ds(0, _BB)], buf0, sem0)
    for i in range(_NB):
        cur, csem = bufs[i % 2], sems[i % 2]
        if i + 1 < _NB:
            pltpu.async_copy(p_hbm.at[:, pl.ds((i + 1) * _BB, _BB)],
                             bufs[(i + 1) % 2], sems[(i + 1) % 2])
        pltpu.make_async_copy(p_hbm.at[:, pl.ds(i * _BB, _BB)], cur,
                              csem).wait()
        aggr = cur[0] + cur[1]
        hb = jnp.dot(aggr[:, :_F_IN + 2], w1_ref[...],
                     preferred_element_type=jnp.float32)
        hb = jnp.maximum(hb, 0.0)
        h_scr[pl.ds(i * _BB, _BB)] = hb
        nnz = jnp.sum((hb != 0.0).astype(jnp.float32), axis=1)
        fs_scr[i] = 1.0 - nnz / _HID
        fe_scr[i] = -jnp.sum(hb * jnp.log(hb + 1e-15), axis=1)
    fs_mn, fs_mx = jnp.min(fs_scr[...]), jnp.max(fs_scr[...])
    fe_mn, fe_mx = jnp.min(fe_scr[...]), jnp.max(fe_scr[...])
    for i in range(_NB):
        fs = (fs_scr[i] - fs_mn) / (fs_mx - fs_mn)
        fe = (fe_scr[i] - fe_mn) / (fe_mx - fe_mn)
        y = jnp.dot(h_scr[pl.ds(i * _BB, _BB)], w2_ref[:_HID],
                    preferred_element_type=jnp.float32)
        y_ref[pl.ds(i * _BB, _BB)] = (y + fs[:, None] * w2_ref[_HID][None, :]
                                      + fe[:, None] * w2_ref[_HID + 1][None, :])


def _lsm_body(p_ref, o_ref):
    z = p_ref[0] + p_ref[1]
    m = jnp.max(z, axis=1, keepdims=True)
    o_ref[...] = (z - m) - jnp.log(jnp.sum(jnp.exp(z - m), axis=1,
                                           keepdims=True))


def kernel(x, edge_index, W1, W2):
    row1 = edge_index[0].reshape(_NC, _NS, _NCHUNK1, _CHUNK1)
    col1 = edge_index[1].reshape(_NC, _NS, _NCHUNK1, _CHUNK1)
    pad_i = jnp.arange(_EP2 - _E, dtype=jnp.int32)
    pad_r = pad_i % _N
    pad_c = _N + pad_i % (_NP - _N)
    row2 = jnp.concatenate([edge_index[0], pad_r]).reshape(
        _NC, _NS, _NCHUNK2, _CHUNK2)
    col2 = jnp.concatenate([edge_index[1], pad_c]).reshape(
        _NC, _NS, _NCHUNK2, _CHUNK2)
    zeros1 = jnp.zeros((_RPT, _D1), jnp.float32)
    zeros2 = jnp.zeros((_RPT, _CLS), jnp.float32)

    table1 = pl.pallas_call(
        _table1_body,
        out_shape=jax.ShapeDtypeStruct((_N, _D1), jnp.float32),
    )(x)
    p1 = _sc_segsum(table1, row1, col1, zeros1, _D1, _CHUNK1, _NCHUNK1)
    y = pl.pallas_call(
        _layer1_body,
        out_shape=jax.ShapeDtypeStruct((_N, _CLS), jnp.float32),
        in_specs=[
            pl.BlockSpec(memory_space=pl.ANY),
            pl.BlockSpec(memory_space=pltpu.VMEM),
            pl.BlockSpec(memory_space=pltpu.VMEM),
        ],
        scratch_shapes=[
            pltpu.VMEM((2, _BB, _D1), jnp.float32),
            pltpu.VMEM((2, _BB, _D1), jnp.float32),
            pltpu.VMEM((_N, _HID), jnp.float32),
            pltpu.VMEM((_NB, _BB), jnp.float32),
            pltpu.VMEM((_NB, _BB), jnp.float32),
            pltpu.SemaphoreType.DMA,
            pltpu.SemaphoreType.DMA,
        ],
    )(p1, W1, W2)
    p2 = _sc_segsum(y, row2, col2, zeros2, _CLS, _CHUNK2, _NCHUNK2)
    return pl.pallas_call(
        _lsm_body,
        out_shape=jax.ShapeDtypeStruct((_N, _CLS), jnp.float32),
        grid=(_NB,),
        in_specs=[pl.BlockSpec((2, _BB, _CLS), lambda i: (0, i, 0))],
        out_specs=pl.BlockSpec((_BB, _CLS), lambda i: (i, 0)),
    )(p2)

# --- scband reference (transcript-rebuilt; emitter-appended) ---
"""Pipeline reference for scband-gcnmodel-24756191494787 (READ-ONLY COPY).

The authoritative reference and input builder live on the scoring server;
editing this copy changes nothing except your own understanding.
"""

import jax, jax.numpy as jnp
import numpy as np

N = 10000
E = 320000
F_IN = 128
HID = 256
CLS = 64


def setup_inputs(seed: int = 0) -> dict:
    key = jax.random.key(seed)
    k1, k2, k3, k4 = jax.random.split(key, 4)
    # base fill is rand; threshold ~30% of entries to exactly zero so that the
    # per-node nonzero-count ('feature_sparsity') varies across nodes, keeping the
    # min-max normalization in the module well-defined (dense rand would give
    # min==max -> 0/0 NaN, as it would in the original torch module too).
    u = jax.random.uniform(k1, (N, F_IN), dtype=jnp.float32)
    x = jnp.where(u > 0.3, u, jnp.zeros_like(u))
    edge_index = jax.random.randint(k2, (2, E), 0, N, dtype=jnp.int32)
    # xavier_uniform init for the two conv weights (in_channels = feat + 2 appended stats)
    lim1 = float(np.sqrt(6.0 / ((F_IN + 2) + HID)))
    W1 = jax.random.uniform(k3, (F_IN + 2, HID), minval=-lim1, maxval=lim1, dtype=jnp.float32)
    lim2 = float(np.sqrt(6.0 / ((HID + 2) + CLS)))
    W2 = jax.random.uniform(k4, (HID + 2, CLS), minval=-lim2, maxval=lim2, dtype=jnp.float32)
    return {"x": x, "edge_index": edge_index, "W1": W1, "W2": W2}


def _l1_normalize(v):
    # torch F.normalize(v, p=1, dim=0): v / max(||v||_1, 1e-12)
    return v / jnp.maximum(jnp.sum(jnp.abs(v)), 1e-12)


def _compute_edge_weight(edge_index, num_nodes):
    row, col = edge_index[0], edge_index[1]
    deg = jnp.bincount(col, length=num_nodes).astype(jnp.float32)
    distance_weight = 1.0
    ew = deg[row] * deg[col] * distance_weight
    return _l1_normalize(ew)


def _custom_gcn_conv(x, edge_index, edge_weight, W):
    n, d = x.shape
    feature_sparsity = 1.0 - jnp.sum((x != 0).astype(jnp.float32), axis=1) / d
    feature_entropy = -jnp.sum(x * jnp.log(x + 1e-15), axis=1)
    feature_sparsity = (feature_sparsity - feature_sparsity.min()) / (feature_sparsity.max() - feature_sparsity.min())
    feature_entropy = (feature_entropy - feature_entropy.min()) / (feature_entropy.max() - feature_entropy.min())
    neighbor_weights = feature_sparsity / feature_entropy * 0.001
    neighbor_weights = _l1_normalize(neighbor_weights)
    expanded_neighbor_weights = neighbor_weights[edge_index[0]]
    _unused_ew = edge_weight * expanded_neighbor_weights  # computed but ignored by message() in the original
    xc = jnp.concatenate([x, feature_sparsity[:, None], feature_entropy[:, None]], axis=1)
    # MessagePassing(aggr='add'), message returns x_j = x[row]; aggregate at col
    row, col = edge_index[0], edge_index[1]
    aggr = jax.ops.segment_sum(xc[row], col, num_segments=n)
    return aggr @ W  # update()


def reference(x, edge_index, W1, W2):
    n = x.shape[0]
    ew1 = _compute_edge_weight(edge_index, n)
    h = _custom_gcn_conv(x, edge_index, ew1, W1)
    ew2 = _compute_edge_weight(edge_index, n)
    h = jax.nn.relu(h)
    # F.dropout(p=0.2, training=False) -> identity in eval mode
    h = _custom_gcn_conv(h, edge_index, ew2, W2)
    return jax.nn.log_softmax(h, axis=1)

if __name__ == "__main__":
    import jax
    _d = setup_inputs()
    print(jax.jit(kernel)(*tuple(_d.values())))

</pallas_src>

<mosaic_0001>
#map = affine_map<(d0, d1) -> (0, 0)>
#map1 = affine_map<(d0, d1) -> (0, 0, 0, 0)>
#map2 = affine_map<(d0, d1) -> (0, 0, 0)>
module attributes {stable_mosaic.version = 14 : i64} {
  func.func @body(%arg0: i32, %arg1: i32, %arg2: memref<10000x136xf32, #tpu.memory_space<hbm>>, %arg3: memref<2x16x125x80xi32, #tpu.memory_space<hbm>>, %arg4: memref<2x16x125x80xi32, #tpu.memory_space<hbm>>, %arg5: memref<640x136xf32, #tpu.memory_space<hbm>>, %arg6: memref<2x10240x136xf32, #tpu.memory_space<hbm>>, %arg7: memref<125x80xi32, #tpu.memory_space<vmem>>, %arg8: memref<125x80xi32, #tpu.memory_space<vmem>>, %arg9: memref<80x136xf32, #tpu.memory_space<vmem>>, %arg10: memref<80x136xf32, #tpu.memory_space<vmem>>, %arg11: memref<10240x136xf32, #tpu.memory_space<vmem_shared>>, %arg12: memref<!tpu.dma_semaphore, #tpu.memory_space<semaphore_mem>>, %arg13: memref<!tpu.dma_semaphore, #tpu.memory_space<semaphore_mem>>) attributes {dimension_semantics = [#tpu.dimension_semantics<core_parallel>, #tpu.dimension_semantics<subcore_parallel>], iteration_bounds = array<i64: 2, 16>, scalar_prefetch = 0 : i64, scratch_operands = 7 : i64, tpu.core_type = #tpu.core_type<sc_vector_subcore>, window_params = [{transform_indices = #map}, {transform_indices = #map1}, {transform_indices = #map1}, {transform_indices = #map}, {transform_indices = #map2}]} {
    %mul3A = arith.constant 640 : i32
    %mul3A_0 = arith.muli %arg1, %mul3A : i32
    "tpu.region"() ({
      %run_scoped3A_22 = tpu.sem_alloc : memref<!tpu.dma_semaphore, #tpu.memory_space<semaphore_mem>>
      %dma_start3A_23 = arith.constant 0 : i32
      %dma_start3A_24 = tpu.memref_slice %arg11[%mul3A_0, %dma_start3A_23] : memref<10240x136xf32, #tpu.memory_space<vmem_shared>> -> memref<640x136xf32, #tpu.memory_space<vmem_shared>>
      tpu.enqueue_dma source(%arg5 : memref<640x136xf32, #tpu.memory_space<hbm>>) target(%dma_start3A_24 : memref<640x136xf32, #tpu.memory_space<vmem_shared>>) target_semaphore(%run_scoped3A_22 : memref<!tpu.dma_semaphore, #tpu.memory_space<semaphore_mem>>)
      %dma_wait3A_25 = arith.constant 0 : i32
      %dma_wait3A_26 = tpu.memref_slice %arg11[%mul3A_0, %dma_wait3A_25] : memref<10240x136xf32, #tpu.memory_space<vmem_shared>> -> memref<640x136xf32, #tpu.memory_space<vmem_shared>>
      tpu.wait_dma2 semaphore(%run_scoped3A_22 : memref<!tpu.dma_semaphore, #tpu.memory_space<semaphore_mem>>) src(%arg5 : memref<640x136xf32, #tpu.memory_space<hbm>>) dst(%dma_wait3A_26 : memref<640x136xf32, #tpu.memory_space<vmem_shared>>)
      tpu.yield
    }) : () -> ()
    "tpu.region"() ({
      %run_scoped3A_22 = tpu.sem_alloc : memref<!tpu.dma_semaphore, #tpu.memory_space<semaphore_mem>>
      %dma_start3A_23 = arith.constant 0 : i32
      %dma_start3A_24 = arith.constant 0 : i32
      %dma_start3A_25 = tpu.memref_slice %arg3[%arg0, %arg1, %dma_start3A_23, %dma_start3A_24] : memref<2x16x125x80xi32, #tpu.memory_space<hbm>> -> memref<1x1x125x80xi32, #tpu.memory_space<hbm>>
      %dma_start3A_26 = tpu.memref_squeeze %dma_start3A_25 : memref<1x1x125x80xi32, #tpu.memory_space<hbm>> -> memref<125x80xi32, #tpu.memory_space<hbm>>
      %dma_start3A_27 = arith.constant 0 : i32
      %dma_start3A_28 = arith.constant 0 : i32
      %dma_start3A_29 = tpu.memref_slice %arg3[%arg0, %arg1, %dma_start3A_27, %dma_start3A_28] : memref<2x16x125x80xi32, #tpu.memory_space<hbm>> -> memref<1x1x125x80xi32, #tpu.memory_space<hbm>>
      %dma_start3A_30 = tpu.memref_squeeze %dma_start3A_29 : memref<1x1x125x80xi32, #tpu.memory_space<hbm>> -> memref<125x80xi32, #tpu.memory_space<hbm>>
      tpu.enqueue_dma source(%dma_start3A_30 : memref<125x80xi32, #tpu.memory_space<hbm>>) target(%arg7 : memref<125x80xi32, #tpu.memory_space<vmem>>) target_semaphore(%run_scoped3A_22 : memref<!tpu.dma_semaphore, #tpu.memory_space<semaphore_mem>>)
      %dma_wait3A_31 = arith.constant 0 : i32
      %dma_wait3A_32 = arith.constant 0 : i32
      %dma_wait3A_33 = tpu.memref_slice %arg3[%arg0, %arg1, %dma_wait3A_31, %dma_wait3A_32] : memref<2x16x125x80xi32, #tpu.memory_space<hbm>> -> memref<1x1x125x80xi32, #tpu.memory_space<hbm>>
      %dma_wait3A_34 = tpu.memref_squeeze %dma_wait3A_33 : memref<1x1x125x80xi32, #tpu.memory_space<hbm>> -> memref<125x80xi32, #tpu.memory_space<hbm>>
      %dma_wait3A_35 = arith.constant 0 : i32
      %dma_wait3A_36 = arith.constant 0 : i32
      %dma_wait3A_37 = tpu.memref_slice %arg3[%arg0, %arg1, %dma_wait3A_35, %dma_wait3A_36] : memref<2x16x125x80xi32, #tpu.memory_space<hbm>> -> memref<1x1x125x80xi32, #tpu.memory_space<hbm>>
      %dma_wait3A_38 = tpu.memref_squeeze %dma_wait3A_37 : memref<1x1x125x80xi32, #tpu.memory_space<hbm>> -> memref<125x80xi32, #tpu.memory_space<hbm>>
      tpu.wait_dma2 semaphore(%run_scoped3A_22 : memref<!tpu.dma_semaphore, #tpu.memory_space<semaphore_mem>>) src(%dma_wait3A_38 : memref<125x80xi32, #tpu.memory_space<hbm>>) dst(%arg7 : memref<125x80xi32, #tpu.memory_space<vmem>>)
      tpu.yield
    }) : () -> ()
    "tpu.region"() ({
      %run_scoped3A_22 = tpu.sem_alloc : memref<!tpu.dma_semaphore, #tpu.memory_space<semaphore_mem>>
      %dma_start3A_23 = arith.constant 0 : i32
      %dma_start3A_24 = arith.constant 0 : i32
      %dma_start3A_25 = tpu.memref_slice %arg4[%arg0, %arg1, %dma_start3A_23, %dma_start3A_24] : memref<2x16x125x80xi32, #tpu.memory_space<hbm>> -> memref<1x1x125x80xi32, #tpu.memory_space<hbm>>
      %dma_start3A_26 = tpu.memref_squeeze %dma_start3A_25 : memref<1x1x125x80xi32, #tpu.memory_space<hbm>> -> memref<125x80xi32, #tpu.memory_space<hbm>>
      %dma_start3A_27 = arith.constant 0 : i32
      %dma_start3A_28 = arith.constant 0 : i32
      %dma_start3A_29 = tpu.memref_slice %arg4[%arg0, %arg1, %dma_start3A_27, %dma_start3A_28] : memref<2x16x125x80xi32, #tpu.memory_space<hbm>> -> memref<1x1x125x80xi32, #tpu.memory_space<hbm>>
      %dma_start3A_30 = tpu.memref_squeeze %dma_start3A_29 : memref<1x1x125x80xi32, #tpu.memory_space<hbm>> -> memref<125x80xi32, #tpu.memory_space<hbm>>
      tpu.enqueue_dma source(%dma_start3A_30 : memref<125x80xi32, #tpu.memory_space<hbm>>) target(%arg8 : memref<125x80xi32, #tpu.memory_space<vmem>>) target_semaphore(%run_scoped3A_22 : memref<!tpu.dma_semaphore, #tpu.memory_space<semaphore_mem>>)
      %dma_wait3A_31 = arith.constant 0 : i32
      %dma_wait3A_32 = arith.constant 0 : i32
      %dma_wait3A_33 = tpu.memref_slice %arg4[%arg0, %arg1, %dma_wait3A_31, %dma_wait3A_32] : memref<2x16x125x80xi32, #tpu.memory_space<hbm>> -> memref<1x1x125x80xi32, #tpu.memory_space<hbm>>
      %dma_wait3A_34 = tpu.memref_squeeze %dma_wait3A_33 : memref<1x1x125x80xi32, #tpu.memory_space<hbm>> -> memref<125x80xi32, #tpu.memory_space<hbm>>
      %dma_wait3A_35 = arith.constant 0 : i32
      %dma_wait3A_36 = arith.constant 0 : i32
      %dma_wait3A_37 = tpu.memref_slice %arg4[%arg0, %arg1, %dma_wait3A_35, %dma_wait3A_36] : memref<2x16x125x80xi32, #tpu.memory_space<hbm>> -> memref<1x1x125x80xi32, #tpu.memory_space<hbm>>
      %dma_wait3A_38 = tpu.memref_squeeze %dma_wait3A_37 : memref<1x1x125x80xi32, #tpu.memory_space<hbm>> -> memref<125x80xi32, #tpu.memory_space<hbm>>
      tpu.wait_dma2 semaphore(%run_scoped3A_22 : memref<!tpu.dma_semaphore, #tpu.memory_space<semaphore_mem>>) src(%dma_wait3A_38 : memref<125x80xi32, #tpu.memory_space<hbm>>) dst(%arg8 : memref<125x80xi32, #tpu.memory_space<vmem>>)
      tpu.yield
    }) : () -> ()
    %barrier3A = arith.constant 0 : index
    tpu.barrier barrier_id(%barrier3A)
    %dma_start3A = arith.constant 0 : i32
    %dma_start3A_1 = arith.constant 0 : i32
    %dma_start3A_2 = tpu.memref_slice %arg7[%dma_start3A, %dma_start3A_1] : memref<125x80xi32, #tpu.memory_space<vmem>> -> memref<1x80xi32, #tpu.memory_space<vmem>>
    %dma_start3A_3 = tpu.memref_squeeze %dma_start3A_2 : memref<1x80xi32, #tpu.memory_space<vmem>> -> memref<80xi32, #tpu.memory_space<vmem>>
    %dma_start3A_4 = arith.constant 0 : i32
    %dma_start3A_5 = arith.constant 0 : i32
    %dma_start3A_6 = tpu.memref_slice %arg2[%dma_start3A_4, %dma_start3A_5] : memref<10000x136xf32, #tpu.memory_space<hbm>> -> memref<10000x136xf32, #tpu.memory_space<hbm>>
    tpu.enqueue_indirect_dma source(%dma_start3A_6 : memref<10000x136xf32, #tpu.memory_space<hbm>>) target(%arg9 : memref<80x136xf32, #tpu.memory_space<vmem>>) offsets(%dma_start3A_3 : memref<80xi32, #tpu.memory_space<vmem>>) semaphore(%arg12 : memref<!tpu.dma_semaphore, #tpu.memory_space<semaphore_mem>>)
    %scan3A = arith.constant 0 : i32
    %scan3A_7 = arith.constant 62 : i32
    %scan3A_8 = arith.addi %scan3A, %scan3A_7 : i32
    %scan3A_9 = arith.constant 1 : i32
    scf.for %scan3A_22 = %scan3A to %scan3A_8 step %scan3A_9  : i32 {
      %mul3A_23 = arith.constant 2 : i32
      %mul3A_24 = arith.muli %scan3A_22, %mul3A_23 : i32
      %add3A = arith.constant 0 : i32
      %add3A_25 = arith.addi %add3A, %mul3A_24 : i32
      %add3A_26 = arith.constant 1 : i32
      %add3A_27 = arith.addi %add3A_25, %add3A_26 : i32
      %dma_start3A_28 = arith.constant 0 : i32
      %dma_start3A_29 = tpu.memref_slice %arg7[%add3A_27, %dma_start3A_28] : memref<125x80xi32, #tpu.memory_space<vmem>> -> memref<1x80xi32, #tpu.memory_space<vmem>>
      %dma_start3A_30 = tpu.memref_squeeze %dma_start3A_29 : memref<1x80xi32, #tpu.memory_space<vmem>> -> memref<80xi32, #tpu.memory_space<vmem>>
      %dma_start3A_31 = arith.constant 0 : i32
      %dma_start3A_32 = arith.constant 0 : i32
      %dma_start3A_33 = tpu.memref_slice %arg2[%dma_start3A_31, %dma_start3A_32] : memref<10000x136xf32, #tpu.memory_space<hbm>> -> memref<10000x136xf32, #tpu.memory_space<hbm>>
      tpu.enqueue_indirect_dma source(%dma_start3A_33 : memref<10000x136xf32, #tpu.memory_space<hbm>>) target(%arg10 : memref<80x136xf32, #tpu.memory_space<vmem>>) offsets(%dma_start3A_30 : memref<80xi32, #tpu.memory_space<vmem>>) semaphore(%arg13 : memref<!tpu.dma_semaphore, #tpu.memory_space<semaphore_mem>>)
      %dma_wait3A_34 = arith.constant 0 : i32
      %dma_wait3A_35 = tpu.memref_slice %arg7[%add3A_25, %dma_wait3A_34] : memref<125x80xi32, #tpu.memory_space<vmem>> -> memref<1x80xi32, #tpu.memory_space<vmem>>
      %dma_wait3A_36 = tpu.memref_squeeze %dma_wait3A_35 : memref<1x80xi32, #tpu.memory_space<vmem>> -> memref<80xi32, #tpu.memory_space<vmem>>
      %dma_wait3A_37 = arith.constant 0 : i32
      %dma_wait3A_38 = arith.constant 0 : i32
      %dma_wait3A_39 = tpu.memref_slice %arg2[%dma_wait3A_37, %dma_wait3A_38] : memref<10000x136xf32, #tpu.memory_space<hbm>> -> memref<10000x136xf32, #tpu.memory_space<hbm>>
      tpu.wait_indirect_dma semaphore(%arg12 : memref<!tpu.dma_semaphore, #tpu.memory_space<semaphore_mem>>) src(%dma_wait3A_39 : memref<10000x136xf32, #tpu.memory_space<hbm>>) dst(%arg9 : memref<80x136xf32, #tpu.memory_space<vmem>>)
      "tpu.region"() ({
        %run_scoped3A_54 = tpu.sem_alloc : memref<!tpu.dma_semaphore, #tpu.memory_space<semaphore_mem>>
        %dma_start3A_55 = arith.constant 0 : i32
        %dma_start3A_56 = tpu.memref_slice %arg8[%add3A_25, %dma_start3A_55] : memref<125x80xi32, #tpu.memory_space<vmem>> -> memref<1x80xi32, #tpu.memory_space<vmem>>
        %dma_start3A_57 = tpu.memref_squeeze %dma_start3A_56 : memref<1x80xi32, #tpu.memory_space<vmem>> -> memref<80xi32, #tpu.memory_space<vmem>>
        %dma_start3A_58 = arith.constant 0 : i32
        %dma_start3A_59 = arith.constant 0 : i32
        %dma_start3A_60 = tpu.memref_slice %arg11[%dma_start3A_58, %dma_start3A_59] : memref<10240x136xf32, #tpu.memory_space<vmem_shared>> -> memref<10240x136xf32, #tpu.memory_space<vmem_shared>>
        tpu.enqueue_indirect_dma source(%arg9 : memref<80x136xf32, #tpu.memory_space<vmem>>) target(%dma_start3A_60 : memref<10240x136xf32, #tpu.memory_space<vmem_shared>>) offsets(%dma_start3A_57 : memref<80xi32, #tpu.memory_space<vmem>>) semaphore(%run_scoped3A_54 : memref<!tpu.dma_semaphore, #tpu.memory_space<semaphore_mem>>) {add = true}
        %dma_wait3A_61 = arith.constant 0 : i32
        %dma_wait3A_62 = tpu.memref_slice %arg8[%add3A_25, %dma_wait3A_61] : memref<125x80xi32, #tpu.memory_space<vmem>> -> memref<1x80xi32, #tpu.memory_space<vmem>>
        %dma_wait3A_63 = tpu.memref_squeeze %dma_wait3A_62 : memref<1x80xi32, #tpu.memory_space<vmem>> -> memref<80xi32, #tpu.memory_space<vmem>>
        %dma_wait3A_64 = arith.constant 0 : i32
        %dma_wait3A_65 = arith.constant 0 : i32
        %dma_wait3A_66 = tpu.memref_slice %arg11[%dma_wait3A_64, %dma_wait3A_65] : memref<10240x136xf32, #tpu.memory_space<vmem_shared>> -> memref<10240x136xf32, #tpu.memory_space<vmem_shared>>
        tpu.wait_indirect_dma semaphore(%run_scoped3A_54 : memref<!tpu.dma_semaphore, #tpu.memory_space<semaphore_mem>>) src(%arg9 : memref<80x136xf32, #tpu.memory_space<vmem>>) dst(%dma_wait3A_66 : memref<10240x136xf32, #tpu.memory_space<vmem_shared>>)
        tpu.yield
      }) : () -> ()
      %add3A_40 = arith.constant 2 : i32
      %add3A_41 = arith.addi %add3A_25, %add3A_40 : i32
      %lt3A = arith.constant 125 : i32
      %lt3A_42 = arith.cmpi slt, %add3A_41, %lt3A : i32
      %convert_element_type3A = arith.extui %lt3A_42 : i1 to i32
      %cond3A = arith.constant 0 : i32
      %cond3A_43 = arith.cmpi ne, %convert_element_type3A, %cond3A : i32
      scf.if %cond3A_43 {
        %add3A_54 = arith.constant 2 : i32
        %add3A_55 = arith.addi %add3A_25, %add3A_54 : i32
        %dma_start3A_56 = arith.constant 0 : i32
        %dma_start3A_57 = tpu.memref_slice %arg7[%add3A_55, %dma_start3A_56] : memref<125x80xi32, #tpu.memory_space<vmem>> -> memref<1x80xi32, #tpu.memory_space<vmem>>
        %dma_start3A_58 = tpu.memref_squeeze %dma_start3A_57 : memref<1x80xi32, #tpu.memory_space<vmem>> -> memref<80xi32, #tpu.memory_space<vmem>>
        %dma_start3A_59 = arith.constant 0 : i32
        %dma_start3A_60 = arith.constant 0 : i32
        %dma_start3A_61 = tpu.memref_slice %arg2[%dma_start3A_59, %dma_start3A_60] : memref<10000x136xf32, #tpu.memory_space<hbm>> -> memref<10000x136xf32, #tpu.memory_space<hbm>>
        tpu.enqueue_indirect_dma source(%dma_start3A_61 : memref<10000x136xf32, #tpu.memory_space<hbm>>) target(%arg9 : memref<80x136xf32, #tpu.memory_space<vmem>>) offsets(%dma_start3A_58 : memref<80xi32, #tpu.memory_space<vmem>>) semaphore(%arg12 : memref<!tpu.dma_semaphore, #tpu.memory_space<semaphore_mem>>)
      } else {
      }
      %add3A_44 = arith.constant 1 : i32
      %add3A_45 = arith.addi %add3A_25, %add3A_44 : i32
      %dma_wait3A_46 = arith.constant 0 : i32
      %dma_wait3A_47 = tpu.memref_slice %arg7[%add3A_45, %dma_wait3A_46] : memref<125x80xi32, #tpu.memory_space<vmem>> -> memref<1x80xi32, #tpu.memory_space<vmem>>
      %dma_wait3A_48 = tpu.memref_squeeze %dma_wait3A_47 : memref<1x80xi32, #tpu.memory_space<vmem>> -> memref<80xi32, #tpu.memory_space<vmem>>
      %dma_wait3A_49 = arith.constant 0 : i32
      %dma_wait3A_50 = arith.constant 0 : i32
      %dma_wait3A_51 = tpu.memref_slice %arg2[%dma_wait3A_49, %dma_wait3A_50] : memref<10000x136xf32, #tpu.memory_space<hbm>> -> memref<10000x136xf32, #tpu.memory_space<hbm>>
      tpu.wait_indirect_dma semaphore(%arg13 : memref<!tpu.dma_semaphore, #tpu.memory_space<semaphore_mem>>) src(%dma_wait3A_51 : memref<10000x136xf32, #tpu.memory_space<hbm>>) dst(%arg10 : memref<80x136xf32, #tpu.memory_space<vmem>>)
      %add3A_52 = arith.constant 1 : i32
      %add3A_53 = arith.addi %add3A_25, %add3A_52 : i32
      "tpu.region"() ({
        %run_scoped3A_54 = tpu.sem_alloc : memref<!tpu.dma_semaphore, #tpu.memory_space<semaphore_mem>>
        %dma_start3A_55 = arith.constant 0 : i32
        %dma_start3A_56 = tpu.memref_slice %arg8[%add3A_53, %dma_start3A_55] : memref<125x80xi32, #tpu.memory_space<vmem>> -> memref<1x80xi32, #tpu.memory_space<vmem>>
        %dma_start3A_57 = tpu.memref_squeeze %dma_start3A_56 : memref<1x80xi32, #tpu.memory_space<vmem>> -> memref<80xi32, #tpu.memory_space<vmem>>
        %dma_start3A_58 = arith.constant 0 : i32
        %dma_start3A_59 = arith.constant 0 : i32
        %dma_start3A_60 = tpu.memref_slice %arg11[%dma_start3A_58, %dma_start3A_59] : memref<10240x136xf32, #tpu.memory_space<vmem_shared>> -> memref<10240x136xf32, #tpu.memory_space<vmem_shared>>
        tpu.enqueue_indirect_dma source(%arg10 : memref<80x136xf32, #tpu.memory_space<vmem>>) target(%dma_start3A_60 : memref<10240x136xf32, #tpu.memory_space<vmem_shared>>) offsets(%dma_start3A_57 : memref<80xi32, #tpu.memory_space<vmem>>) semaphore(%run_scoped3A_54 : memref<!tpu.dma_semaphore, #tpu.memory_space<semaphore_mem>>) {add = true}
        %dma_wait3A_61 = arith.constant 0 : i32
        %dma_wait3A_62 = tpu.memref_slice %arg8[%add3A_53, %dma_wait3A_61] : memref<125x80xi32, #tpu.memory_space<vmem>> -> memref<1x80xi32, #tpu.memory_space<vmem>>
        %dma_wait3A_63 = tpu.memref_squeeze %dma_wait3A_62 : memref<1x80xi32, #tpu.memory_space<vmem>> -> memref<80xi32, #tpu.memory_space<vmem>>
        %dma_wait3A_64 = arith.constant 0 : i32
        %dma_wait3A_65 = arith.constant 0 : i32
        %dma_wait3A_66 = tpu.memref_slice %arg11[%dma_wait3A_64, %dma_wait3A_65] : memref<10240x136xf32, #tpu.memory_space<vmem_shared>> -> memref<10240x136xf32, #tpu.memory_space<vmem_shared>>
        tpu.wait_indirect_dma semaphore(%run_scoped3A_54 : memref<!tpu.dma_semaphore, #tpu.memory_space<semaphore_mem>>) src(%arg10 : memref<80x136xf32, #tpu.memory_space<vmem>>) dst(%dma_wait3A_66 : memref<10240x136xf32, #tpu.memory_space<vmem_shared>>)
        tpu.yield
      }) : () -> ()
    }
    %scan3A_10 = arith.constant 62 : i32
    %dma_wait3A = arith.constant 124 : i32
    %dma_wait3A_11 = arith.constant 0 : i32
    %dma_wait3A_12 = tpu.memref_slice %arg7[%dma_wait3A, %dma_wait3A_11] : memref<125x80xi32, #tpu.memory_space<vmem>> -> memref<1x80xi32, #tpu.memory_space<vmem>>
    %dma_wait3A_13 = tpu.memref_squeeze %dma_wait3A_12 : memref<1x80xi32, #tpu.memory_space<vmem>> -> memref<80xi32, #tpu.memory_space<vmem>>
    %dma_wait3A_14 = arith.constant 0 : i32
    %dma_wait3A_15 = arith.constant 0 : i32
    %dma_wait3A_16 = tpu.memref_slice %arg2[%dma_wait3A_14, %dma_wait3A_15] : memref<10000x136xf32, #tpu.memory_space<hbm>> -> memref<10000x136xf32, #tpu.memory_space<hbm>>
    tpu.wait_indirect_dma semaphore(%arg12 : memref<!tpu.dma_semaphore, #tpu.memory_space<semaphore_mem>>) src(%dma_wait3A_16 : memref<10000x136xf32, #tpu.memory_space<hbm>>) dst(%arg9 : memref<80x136xf32, #tpu.memory_space<vmem>>)
    %run_scoped3A = arith.constant 124 : i32
    "tpu.region"() ({
      %run_scoped3A_22 = tpu.sem_alloc : memref<!tpu.dma_semaphore, #tpu.memory_space<semaphore_mem>>
      %dma_start3A_23 = arith.constant 0 : i32
      %dma_start3A_24 = tpu.memref_slice %arg8[%run_scoped3A, %dma_start3A_23] : memref<125x80xi32, #tpu.memory_space<vmem>> -> memref<1x80xi32, #tpu.memory_space<vmem>>
      %dma_start3A_25 = tpu.memref_squeeze %dma_start3A_24 : memref<1x80xi32, #tpu.memory_space<vmem>> -> memref<80xi32, #tpu.memory_space<vmem>>
      %dma_start3A_26 = arith.constant 0 : i32
      %dma_start3A_27 = arith.constant 0 : i32
      %dma_start3A_28 = tpu.memref_slice %arg11[%dma_start3A_26, %dma_start3A_27] : memref<10240x136xf32, #tpu.memory_space<vmem_shared>> -> memref<10240x136xf32, #tpu.memory_space<vmem_shared>>
      tpu.enqueue_indirect_dma source(%arg9 : memref<80x136xf32, #tpu.memory_space<vmem>>) target(%dma_start3A_28 : memref<10240x136xf32, #tpu.memory_space<vmem_shared>>) offsets(%dma_start3A_25 : memref<80xi32, #tpu.memory_space<vmem>>) semaphore(%run_scoped3A_22 : memref<!tpu.dma_semaphore, #tpu.memory_space<semaphore_mem>>) {add = true}
      %dma_wait3A_29 = arith.constant 0 : i32
      %dma_wait3A_30 = tpu.memref_slice %arg8[%run_scoped3A, %dma_wait3A_29] : memref<125x80xi32, #tpu.memory_space<vmem>> -> memref<1x80xi32, #tpu.memory_space<vmem>>
      %dma_wait3A_31 = tpu.memref_squeeze %dma_wait3A_30 : memref<1x80xi32, #tpu.memory_space<vmem>> -> memref<80xi32, #tpu.memory_space<vmem>>
      %dma_wait3A_32 = arith.constant 0 : i32
      %dma_wait3A_33 = arith.constant 0 : i32
      %dma_wait3A_34 = tpu.memref_slice %arg11[%dma_wait3A_32, %dma_wait3A_33] : memref<10240x136xf32, #tpu.memory_space<vmem_shared>> -> memref<10240x136xf32, #tpu.memory_space<vmem_shared>>
      tpu.wait_indirect_dma semaphore(%run_scoped3A_22 : memref<!tpu.dma_semaphore, #tpu.memory_space<semaphore_mem>>) src(%arg9 : memref<80x136xf32, #tpu.memory_space<vmem>>) dst(%dma_wait3A_34 : memref<10240x136xf32, #tpu.memory_space<vmem_shared>>)
      tpu.yield
    }) : () -> ()
    %barrier3A_17 = arith.constant 0 : index
    tpu.barrier barrier_id(%barrier3A_17)
    %mul3A_18 = arith.constant 640 : i32
    %mul3A_19 = arith.muli %arg1, %mul3A_18 : i32
    %mul3A_20 = arith.constant 640 : i32
    %mul3A_21 = arith.muli %arg1, %mul3A_20 : i32
    "tpu.region"() ({
      %run_scoped3A_22 = tpu.sem_alloc : memref<!tpu.dma_semaphore, #tpu.memory_space<semaphore_mem>>
      %dma_start3A_23 = arith.constant 0 : i32
      %dma_start3A_24 = tpu.memref_slice %arg6[%arg0, %mul3A_21, %dma_start3A_23] : memref<2x10240x136xf32, #tpu.memory_space<hbm>> -> memref<1x640x136xf32, #tpu.memory_space<hbm>>
      %dma_start3A_25 = tpu.memref_squeeze %dma_start3A_24 : memref<1x640x136xf32, #tpu.memory_space<hbm>> -> memref<640x136xf32, #tpu.memory_space<hbm>>
      %dma_start3A_26 = arith.constant 0 : i32
      %dma_start3A_27 = tpu.memref_slice %arg11[%mul3A_19, %dma_start3A_26] : memref<10240x136xf32, #tpu.memory_space<vmem_shared>> -> memref<640x136xf32, #tpu.memory_space<vmem_shared>>
      tpu.enqueue_dma source(%dma_start3A_27 : memref<640x136xf32, #tpu.memory_space<vmem_shared>>) target(%dma_start3A_25 : memref<640x136xf32, #tpu.memory_space<hbm>>) target_semaphore(%run_scoped3A_22 : memref<!tpu.dma_semaphore, #tpu.memory_space<semaphore_mem>>)
      %dma_wait3A_28 = arith.constant 0 : i32
      %dma_wait3A_29 = tpu.memref_slice %arg6[%arg0, %mul3A_21, %dma_wait3A_28] : memref<2x10240x136xf32, #tpu.memory_space<hbm>> -> memref<1x640x136xf32, #tpu.memory_space<hbm>>
      %dma_wait3A_30 = tpu.memref_squeeze %dma_wait3A_29 : memref<1x640x136xf32, #tpu.memory_space<hbm>> -> memref<640x136xf32, #tpu.memory_space<hbm>>
      %dma_wait3A_31 = arith.constant 0 : i32
      %dma_wait3A_32 = tpu.memref_slice %arg11[%mul3A_19, %dma_wait3A_31] : memref<10240x136xf32, #tpu.memory_space<vmem_shared>> -> memref<640x136xf32, #tpu.memory_space<vmem_shared>>
      tpu.wait_dma2 semaphore(%run_scoped3A_22 : memref<!tpu.dma_semaphore, #tpu.memory_space<semaphore_mem>>) src(%dma_wait3A_32 : memref<640x136xf32, #tpu.memory_space<vmem_shared>>) dst(%dma_wait3A_30 : memref<640x136xf32, #tpu.memory_space<hbm>>)
      tpu.yield
    }) : () -> ()
    return
  }
}

#map = affine_map<(d0, d1) -> (0, 0)>
#map1 = affine_map<(d0, d1) -> (0, 0, 0, 0)>
#map2 = affine_map<(d0, d1) -> (0, 0, 0)>
module attributes {stable_mosaic.version = 14 : i64} {
  func.func @body(%arg0: i32, %arg1: i32, %arg2: memref<10000x64xf32, #tpu.memory_space<hbm>>, %arg3: memref<2x16x79x128xi32, #tpu.memory_space<hbm>>, %arg4: memref<2x16x79x128xi32, #tpu.memory_space<hbm>>, %arg5: memref<640x64xf32, #tpu.memory_space<hbm>>, %arg6: memref<2x10240x64xf32, #tpu.memory_space<hbm>>, %arg7: memref<79x128xi32, #tpu.memory_space<vmem>>, %arg8: memref<79x128xi32, #tpu.memory_space<vmem>>, %arg9: memref<128x64xf32, #tpu.memory_space<vmem>>, %arg10: memref<128x64xf32, #tpu.memory_space<vmem>>, %arg11: memref<10240x64xf32, #tpu.memory_space<vmem_shared>>, %arg12: memref<!tpu.dma_semaphore, #tpu.memory_space<semaphore_mem>>, %arg13: memref<!tpu.dma_semaphore, #tpu.memory_space<semaphore_mem>>) attributes {dimension_semantics = [#tpu.dimension_semantics<core_parallel>, #tpu.dimension_semantics<subcore_parallel>], iteration_bounds = array<i64: 2, 16>, scalar_prefetch = 0 : i64, scratch_operands = 7 : i64, tpu.core_type = #tpu.core_type<sc_vector_subcore>, window_params = [{transform_indices = #map}, {transform_indices = #map1}, {transform_indices = #map1}, {transform_indices = #map}, {transform_indices = #map2}]} {
    %mul3A = arith.constant 640 : i32
    %mul3A_0 = arith.muli %arg1, %mul3A : i32
    "tpu.region"() ({
      %run_scoped3A_22 = tpu.sem_alloc : memref<!tpu.dma_semaphore, #tpu.memory_space<semaphore_mem>>
      %dma_start3A_23 = arith.constant 0 : i32
      %dma_start3A_24 = tpu.memref_slice %arg11[%mul3A_0, %dma_start3A_23] : memref<10240x64xf32, #tpu.memory_space<vmem_shared>> -> memref<640x64xf32, #tpu.memory_space<vmem_shared>>
      tpu.enqueue_dma source(%arg5 : memref<640x64xf32, #tpu.memory_space<hbm>>) target(%dma_start3A_24 : memref<640x64xf32, #tpu.memory_space<vmem_shared>>) target_semaphore(%run_scoped3A_22 : memref<!tpu.dma_semaphore, #tpu.memory_space<semaphore_mem>>)
      %dma_wait3A_25 = arith.constant 0 : i32
      %dma_wait3A_26 = tpu.memref_slice %arg11[%mul3A_0, %dma_wait3A_25] : memref<10240x64xf32, #tpu.memory_space<vmem_shared>> -> memref<640x64xf32, #tpu.memory_space<vmem_shared>>
      tpu.wait_dma2 semaphore(%run_scoped3A_22 : memref<!tpu.dma_semaphore, #tpu.memory_space<semaphore_mem>>) src(%arg5 : memref<640x64xf32, #tpu.memory_space<hbm>>) dst(%dma_wait3A_26 : memref<640x64xf32, #tpu.memory_space<vmem_shared>>)
      tpu.yield
    }) : () -> ()
    "tpu.region"() ({
      %run_scoped3A_22 = tpu.sem_alloc : memref<!tpu.dma_semaphore, #tpu.memory_space<semaphore_mem>>
      %dma_start3A_23 = arith.constant 0 : i32
      %dma_start3A_24 = arith.constant 0 : i32
      %dma_start3A_25 = tpu.memref_slice %arg3[%arg0, %arg1, %dma_start3A_23, %dma_start3A_24] : memref<2x16x79x128xi32, #tpu.memory_space<hbm>> -> memref<1x1x79x128xi32, #tpu.memory_space<hbm>>
      %dma_start3A_26 = tpu.memref_squeeze %dma_start3A_25 : memref<1x1x79x128xi32, #tpu.memory_space<hbm>> -> memref<79x128xi32, #tpu.memory_space<hbm>>
      %dma_start3A_27 = arith.constant 0 : i32
      %dma_start3A_28 = arith.constant 0 : i32
      %dma_start3A_29 = tpu.memref_slice %arg3[%arg0, %arg1, %dma_start3A_27, %dma_start3A_28] : memref<2x16x79x128xi32, #tpu.memory_space<hbm>> -> memref<1x1x79x128xi32, #tpu.memory_space<hbm>>
      %dma_start3A_30 = tpu.memref_squeeze %dma_start3A_29 : memref<1x1x79x128xi32, #tpu.memory_space<hbm>> -> memref<79x128xi32, #tpu.memory_space<hbm>>
      tpu.enqueue_dma source(%dma_start3A_30 : memref<79x128xi32, #tpu.memory_space<hbm>>) target(%arg7 : memref<79x128xi32, #tpu.memory_space<vmem>>) target_semaphore(%run_scoped3A_22 : memref<!tpu.dma_semaphore, #tpu.memory_space<semaphore_mem>>)
      %dma_wait3A_31 = arith.constant 0 : i32
      %dma_wait3A_32 = arith.constant 0 : i32
      %dma_wait3A_33 = tpu.memref_slice %arg3[%arg0, %arg1, %dma_wait3A_31, %dma_wait3A_32] : memref<2x16x79x128xi32, #tpu.memory_space<hbm>> -> memref<1x1x79x128xi32, #tpu.memory_space<hbm>>
      %dma_wait3A_34 = tpu.memref_squeeze %dma_wait3A_33 : memref<1x1x79x128xi32, #tpu.memory_space<hbm>> -> memref<79x128xi32, #tpu.memory_space<hbm>>
      %dma_wait3A_35 = arith.constant 0 : i32
      %dma_wait3A_36 = arith.constant 0 : i32
      %dma_wait3A_37 = tpu.memref_slice %arg3[%arg0, %arg1, %dma_wait3A_35, %dma_wait3A_36] : memref<2x16x79x128xi32, #tpu.memory_space<hbm>> -> memref<1x1x79x128xi32, #tpu.memory_space<hbm>>
      %dma_wait3A_38 = tpu.memref_squeeze %dma_wait3A_37 : memref<1x1x79x128xi32, #tpu.memory_space<hbm>> -> memref<79x128xi32, #tpu.memory_space<hbm>>
      tpu.wait_dma2 semaphore(%run_scoped3A_22 : memref<!tpu.dma_semaphore, #tpu.memory_space<semaphore_mem>>) src(%dma_wait3A_38 : memref<79x128xi32, #tpu.memory_space<hbm>>) dst(%arg7 : memref<79x128xi32, #tpu.memory_space<vmem>>)
      tpu.yield
    }) : () -> ()
    "tpu.region"() ({
      %run_scoped3A_22 = tpu.sem_alloc : memref<!tpu.dma_semaphore, #tpu.memory_space<semaphore_mem>>
      %dma_start3A_23 = arith.constant 0 : i32
      %dma_start3A_24 = arith.constant 0 : i32
      %dma_start3A_25 = tpu.memref_slice %arg4[%arg0, %arg1, %dma_start3A_23, %dma_start3A_24] : memref<2x16x79x128xi32, #tpu.memory_space<hbm>> -> memref<1x1x79x128xi32, #tpu.memory_space<hbm>>
      %dma_start3A_26 = tpu.memref_squeeze %dma_start3A_25 : memref<1x1x79x128xi32, #tpu.memory_space<hbm>> -> memref<79x128xi32, #tpu.memory_space<hbm>>
      %dma_start3A_27 = arith.constant 0 : i32
      %dma_start3A_28 = arith.constant 0 : i32
      %dma_start3A_29 = tpu.memref_slice %arg4[%arg0, %arg1, %dma_start3A_27, %dma_start3A_28] : memref<2x16x79x128xi32, #tpu.memory_space<hbm>> -> memref<1x1x79x128xi32, #tpu.memory_space<hbm>>
      %dma_start3A_30 = tpu.memref_squeeze %dma_start3A_29 : memref<1x1x79x128xi32, #tpu.memory_space<hbm>> -> memref<79x128xi32, #tpu.memory_space<hbm>>
      tpu.enqueue_dma source(%dma_start3A_30 : memref<79x128xi32, #tpu.memory_space<hbm>>) target(%arg8 : memref<79x128xi32, #tpu.memory_space<vmem>>) target_semaphore(%run_scoped3A_22 : memref<!tpu.dma_semaphore, #tpu.memory_space<semaphore_mem>>)
      %dma_wait3A_31 = arith.constant 0 : i32
      %dma_wait3A_32 = arith.constant 0 : i32
      %dma_wait3A_33 = tpu.memref_slice %arg4[%arg0, %arg1, %dma_wait3A_31, %dma_wait3A_32] : memref<2x16x79x128xi32, #tpu.memory_space<hbm>> -> memref<1x1x79x128xi32, #tpu.memory_space<hbm>>
      %dma_wait3A_34 = tpu.memref_squeeze %dma_wait3A_33 : memref<1x1x79x128xi32, #tpu.memory_space<hbm>> -> memref<79x128xi32, #tpu.memory_space<hbm>>
      %dma_wait3A_35 = arith.constant 0 : i32
      %dma_wait3A_36 = arith.constant 0 : i32
      %dma_wait3A_37 = tpu.memref_slice %arg4[%arg0, %arg1, %dma_wait3A_35, %dma_wait3A_36] : memref<2x16x79x128xi32, #tpu.memory_space<hbm>> -> memref<1x1x79x128xi32, #tpu.memory_space<hbm>>
      %dma_wait3A_38 = tpu.memref_squeeze %dma_wait3A_37 : memref<1x1x79x128xi32, #tpu.memory_space<hbm>> -> memref<79x128xi32, #tpu.memory_space<hbm>>
      tpu.wait_dma2 semaphore(%run_scoped3A_22 : memref<!tpu.dma_semaphore, #tpu.memory_space<semaphore_mem>>) src(%dma_wait3A_38 : memref<79x128xi32, #tpu.memory_space<hbm>>) dst(%arg8 : memref<79x128xi32, #tpu.memory_space<vmem>>)
      tpu.yield
    }) : () -> ()
    %barrier3A = arith.constant 0 : index
    tpu.barrier barrier_id(%barrier3A)
    %dma_start3A = arith.constant 0 : i32
    %dma_start3A_1 = arith.constant 0 : i32
    %dma_start3A_2 = tpu.memref_slice %arg7[%dma_start3A, %dma_start3A_1] : memref<79x128xi32, #tpu.memory_space<vmem>> -> memref<1x128xi32, #tpu.memory_space<vmem>>
    %dma_start3A_3 = tpu.memref_squeeze %dma_start3A_2 : memref<1x128xi32, #tpu.memory_space<vmem>> -> memref<128xi32, #tpu.memory_space<vmem>>
    %dma_start3A_4 = arith.constant 0 : i32
    %dma_start3A_5 = arith.constant 0 : i32
    %dma_start3A_6 = tpu.memref_slice %arg2[%dma_start3A_4, %dma_start3A_5] : memref<10000x64xf32, #tpu.memory_space<hbm>> -> memref<10000x64xf32, #tpu.memory_space<hbm>>
    tpu.enqueue_indirect_dma source(%dma_start3A_6 : memref<10000x64xf32, #tpu.memory_space<hbm>>) target(%arg9 : memref<128x64xf32, #tpu.memory_space<vmem>>) offsets(%dma_start3A_3 : memref<128xi32, #tpu.memory_space<vmem>>) semaphore(%arg12 : memref<!tpu.dma_semaphore, #tpu.memory_space<semaphore_mem>>)
    %scan3A = arith.constant 0 : i32
    %scan3A_7 = arith.constant 39 : i32
    %scan3A_8 = arith.addi %scan3A, %scan3A_7 : i32
    %scan3A_9 = arith.constant 1 : i32
    scf.for %scan3A_22 = %scan3A to %scan3A_8 step %scan3A_9  : i32 {
      %mul3A_23 = arith.constant 2 : i32
      %mul3A_24 = arith.muli %scan3A_22, %mul3A_23 : i32
      %add3A = arith.constant 0 : i32
      %add3A_25 = arith.addi %add3A, %mul3A_24 : i32
      %add3A_26 = arith.constant 1 : i32
      %add3A_27 = arith.addi %add3A_25, %add3A_26 : i32
      %dma_start3A_28 = arith.constant 0 : i32
      %dma_start3A_29 = tpu.memref_slice %arg7[%add3A_27, %dma_start3A_28] : memref<79x128xi32, #tpu.memory_space<vmem>> -> memref<1x128xi32, #tpu.memory_space<vmem>>
      %dma_start3A_30 = tpu.memref_squeeze %dma_start3A_29 : memref<1x128xi32, #tpu.memory_space<vmem>> -> memref<128xi32, #tpu.memory_space<vmem>>
      %dma_start3A_31 = arith.constant 0 : i32
      %dma_start3A_32 = arith.constant 0 : i32
      %dma_start3A_33 = tpu.memref_slice %arg2[%dma_start3A_31, %dma_start3A_32] : memref<10000x64xf32, #tpu.memory_space<hbm>> -> memref<10000x64xf32, #tpu.memory_space<hbm>>
      tpu.enqueue_indirect_dma source(%dma_start3A_33 : memref<10000x64xf32, #tpu.memory_space<hbm>>) target(%arg10 : memref<128x64xf32, #tpu.memory_space<vmem>>) offsets(%dma_start3A_30 : memref<128xi32, #tpu.memory_space<vmem>>) semaphore(%arg13 : memref<!tpu.dma_semaphore, #tpu.memory_space<semaphore_mem>>)
      %dma_wait3A_34 = arith.constant 0 : i32
      %dma_wait3A_35 = tpu.memref_slice %arg7[%add3A_25, %dma_wait3A_34] : memref<79x128xi32, #tpu.memory_space<vmem>> -> memref<1x128xi32, #tpu.memory_space<vmem>>
      %dma_wait3A_36 = tpu.memref_squeeze %dma_wait3A_35 : memref<1x128xi32, #tpu.memory_space<vmem>> -> memref<128xi32, #tpu.memory_space<vmem>>
      %dma_wait3A_37 = arith.constant 0 : i32
      %dma_wait3A_38 = arith.constant 0 : i32
      %dma_wait3A_39 = tpu.memref_slice %arg2[%dma_wait3A_37, %dma_wait3A_38] : memref<10000x64xf32, #tpu.memory_space<hbm>> -> memref<10000x64xf32, #tpu.memory_space<hbm>>
      tpu.wait_indirect_dma semaphore(%arg12 : memref<!tpu.dma_semaphore, #tpu.memory_space<semaphore_mem>>) src(%dma_wait3A_39 : memref<10000x64xf32, #tpu.memory_space<hbm>>) dst(%arg9 : memref<128x64xf32, #tpu.memory_space<vmem>>)
      "tpu.region"() ({
        %run_scoped3A_54 = tpu.sem_alloc : memref<!tpu.dma_semaphore, #tpu.memory_space<semaphore_mem>>
        %dma_start3A_55 = arith.constant 0 : i32
        %dma_start3A_56 = tpu.memref_slice %arg8[%add3A_25, %dma_start3A_55] : memref<79x128xi32, #tpu.memory_space<vmem>> -> memref<1x128xi32, #tpu.memory_space<vmem>>
        %dma_start3A_57 = tpu.memref_squeeze %dma_start3A_56 : memref<1x128xi32, #tpu.memory_space<vmem>> -> memref<128xi32, #tpu.memory_space<vmem>>
        %dma_start3A_58 = arith.constant 0 : i32
        %dma_start3A_59 = arith.constant 0 : i32
        %dma_start3A_60 = tpu.memref_slice %arg11[%dma_start3A_58, %dma_start3A_59] : memref<10240x64xf32, #tpu.memory_space<vmem_shared>> -> memref<10240x64xf32, #tpu.memory_space<vmem_shared>>
        tpu.enqueue_indirect_dma source(%arg9 : memref<128x64xf32, #tpu.memory_space<vmem>>) target(%dma_start3A_60 : memref<10240x64xf32, #tpu.memory_space<vmem_shared>>) offsets(%dma_start3A_57 : memref<128xi32, #tpu.memory_space<vmem>>) semaphore(%run_scoped3A_54 : memref<!tpu.dma_semaphore, #tpu.memory_space<semaphore_mem>>) {add = true}
        %dma_wait3A_61 = arith.constant 0 : i32
        %dma_wait3A_62 = tpu.memref_slice %arg8[%add3A_25, %dma_wait3A_61] : memref<79x128xi32, #tpu.memory_space<vmem>> -> memref<1x128xi32, #tpu.memory_space<vmem>>
        %dma_wait3A_63 = tpu.memref_squeeze %dma_wait3A_62 : memref<1x128xi32, #tpu.memory_space<vmem>> -> memref<128xi32, #tpu.memory_space<vmem>>
        %dma_wait3A_64 = arith.constant 0 : i32
        %dma_wait3A_65 = arith.constant 0 : i32
        %dma_wait3A_66 = tpu.memref_slice %arg11[%dma_wait3A_64, %dma_wait3A_65] : memref<10240x64xf32, #tpu.memory_space<vmem_shared>> -> memref<10240x64xf32, #tpu.memory_space<vmem_shared>>
        tpu.wait_indirect_dma semaphore(%run_scoped3A_54 : memref<!tpu.dma_semaphore, #tpu.memory_space<semaphore_mem>>) src(%arg9 : memref<128x64xf32, #tpu.memory_space<vmem>>) dst(%dma_wait3A_66 : memref<10240x64xf32, #tpu.memory_space<vmem_shared>>)
        tpu.yield
      }) : () -> ()
      %add3A_40 = arith.constant 2 : i32
      %add3A_41 = arith.addi %add3A_25, %add3A_40 : i32
      %lt3A = arith.constant 79 : i32
      %lt3A_42 = arith.cmpi slt, %add3A_41, %lt3A : i32
      %convert_element_type3A = arith.extui %lt3A_42 : i1 to i32
      %cond3A = arith.constant 0 : i32
      %cond3A_43 = arith.cmpi ne, %convert_element_type3A, %cond3A : i32
      scf.if %cond3A_43 {
        %add3A_54 = arith.constant 2 : i32
        %add3A_55 = arith.addi %add3A_25, %add3A_54 : i32
        %dma_start3A_56 = arith.constant 0 : i32
        %dma_start3A_57 = tpu.memref_slice %arg7[%add3A_55, %dma_start3A_56] : memref<79x128xi32, #tpu.memory_space<vmem>> -> memref<1x128xi32, #tpu.memory_space<vmem>>
        %dma_start3A_58 = tpu.memref_squeeze %dma_start3A_57 : memref<1x128xi32, #tpu.memory_space<vmem>> -> memref<128xi32, #tpu.memory_space<vmem>>
        %dma_start3A_59 = arith.constant 0 : i32
        %dma_start3A_60 = arith.constant 0 : i32
        %dma_start3A_61 = tpu.memref_slice %arg2[%dma_start3A_59, %dma_start3A_60] : memref<10000x64xf32, #tpu.memory_space<hbm>> -> memref<10000x64xf32, #tpu.memory_space<hbm>>
        tpu.enqueue_indirect_dma source(%dma_start3A_61 : memref<10000x64xf32, #tpu.memory_space<hbm>>) target(%arg9 : memref<128x64xf32, #tpu.memory_space<vmem>>) offsets(%dma_start3A_58 : memref<128xi32, #tpu.memory_space<vmem>>) semaphore(%arg12 : memref<!tpu.dma_semaphore, #tpu.memory_space<semaphore_mem>>)
      } else {
      }
      %add3A_44 = arith.constant 1 : i32
      %add3A_45 = arith.addi %add3A_25, %add3A_44 : i32
      %dma_wait3A_46 = arith.constant 0 : i32
      %dma_wait3A_47 = tpu.memref_slice %arg7[%add3A_45, %dma_wait3A_46] : memref<79x128xi32, #tpu.memory_space<vmem>> -> memref<1x128xi32, #tpu.memory_space<vmem>>
      %dma_wait3A_48 = tpu.memref_squeeze %dma_wait3A_47 : memref<1x128xi32, #tpu.memory_space<vmem>> -> memref<128xi32, #tpu.memory_space<vmem>>
      %dma_wait3A_49 = arith.constant 0 : i32
      %dma_wait3A_50 = arith.constant 0 : i32
      %dma_wait3A_51 = tpu.memref_slice %arg2[%dma_wait3A_49, %dma_wait3A_50] : memref<10000x64xf32, #tpu.memory_space<hbm>> -> memref<10000x64xf32, #tpu.memory_space<hbm>>
      tpu.wait_indirect_dma semaphore(%arg13 : memref<!tpu.dma_semaphore, #tpu.memory_space<semaphore_mem>>) src(%dma_wait3A_51 : memref<10000x64xf32, #tpu.memory_space<hbm>>) dst(%arg10 : memref<128x64xf32, #tpu.memory_space<vmem>>)
      %add3A_52 = arith.constant 1 : i32
      %add3A_53 = arith.addi %add3A_25, %add3A_52 : i32
      "tpu.region"() ({
        %run_scoped3A_54 = tpu.sem_alloc : memref<!tpu.dma_semaphore, #tpu.memory_space<semaphore_mem>>
        %dma_start3A_55 = arith.constant 0 : i32
        %dma_start3A_56 = tpu.memref_slice %arg8[%add3A_53, %dma_start3A_55] : memref<79x128xi32, #tpu.memory_space<vmem>> -> memref<1x128xi32, #tpu.memory_space<vmem>>
        %dma_start3A_57 = tpu.memref_squeeze %dma_start3A_56 : memref<1x128xi32, #tpu.memory_space<vmem>> -> memref<128xi32, #tpu.memory_space<vmem>>
        %dma_start3A_58 = arith.constant 0 : i32
        %dma_start3A_59 = arith.constant 0 : i32
        %dma_start3A_60 = tpu.memref_slice %arg11[%dma_start3A_58, %dma_start3A_59] : memref<10240x64xf32, #tpu.memory_space<vmem_shared>> -> memref<10240x64xf32, #tpu.memory_space<vmem_shared>>
        tpu.enqueue_indirect_dma source(%arg10 : memref<128x64xf32, #tpu.memory_space<vmem>>) target(%dma_start3A_60 : memref<10240x64xf32, #tpu.memory_space<vmem_shared>>) offsets(%dma_start3A_57 : memref<128xi32, #tpu.memory_space<vmem>>) semaphore(%run_scoped3A_54 : memref<!tpu.dma_semaphore, #tpu.memory_space<semaphore_mem>>) {add = true}
        %dma_wait3A_61 = arith.constant 0 : i32
        %dma_wait3A_62 = tpu.memref_slice %arg8[%add3A_53, %dma_wait3A_61] : memref<79x128xi32, #tpu.memory_space<vmem>> -> memref<1x128xi32, #tpu.memory_space<vmem>>
        %dma_wait3A_63 = tpu.memref_squeeze %dma_wait3A_62 : memref<1x128xi32, #tpu.memory_space<vmem>> -> memref<128xi32, #tpu.memory_space<vmem>>
        %dma_wait3A_64 = arith.constant 0 : i32
        %dma_wait3A_65 = arith.constant 0 : i32
        %dma_wait3A_66 = tpu.memref_slice %arg11[%dma_wait3A_64, %dma_wait3A_65] : memref<10240x64xf32, #tpu.memory_space<vmem_shared>> -> memref<10240x64xf32, #tpu.memory_space<vmem_shared>>
        tpu.wait_indirect_dma semaphore(%run_scoped3A_54 : memref<!tpu.dma_semaphore, #tpu.memory_space<semaphore_mem>>) src(%arg10 : memref<128x64xf32, #tpu.memory_space<vmem>>) dst(%dma_wait3A_66 : memref<10240x64xf32, #tpu.memory_space<vmem_shared>>)
        tpu.yield
      }) : () -> ()
    }
    %scan3A_10 = arith.constant 39 : i32
    %dma_wait3A = arith.constant 78 : i32
    %dma_wait3A_11 = arith.constant 0 : i32
    %dma_wait3A_12 = tpu.memref_slice %arg7[%dma_wait3A, %dma_wait3A_11] : memref<79x128xi32, #tpu.memory_space<vmem>> -> memref<1x128xi32, #tpu.memory_space<vmem>>
    %dma_wait3A_13 = tpu.memref_squeeze %dma_wait3A_12 : memref<1x128xi32, #tpu.memory_space<vmem>> -> memref<128xi32, #tpu.memory_space<vmem>>
    %dma_wait3A_14 = arith.constant 0 : i32
    %dma_wait3A_15 = arith.constant 0 : i32
    %dma_wait3A_16 = tpu.memref_slice %arg2[%dma_wait3A_14, %dma_wait3A_15] : memref<10000x64xf32, #tpu.memory_space<hbm>> -> memref<10000x64xf32, #tpu.memory_space<hbm>>
    tpu.wait_indirect_dma semaphore(%arg12 : memref<!tpu.dma_semaphore, #tpu.memory_space<semaphore_mem>>) src(%dma_wait3A_16 : memref<10000x64xf32, #tpu.memory_space<hbm>>) dst(%arg9 : memref<128x64xf32, #tpu.memory_space<vmem>>)
    %run_scoped3A = arith.constant 78 : i32
    "tpu.region"() ({
      %run_scoped3A_22 = tpu.sem_alloc : memref<!tpu.dma_semaphore, #tpu.memory_space<semaphore_mem>>
      %dma_start3A_23 = arith.constant 0 : i32
      %dma_start3A_24 = tpu.memref_slice %arg8[%run_scoped3A, %dma_start3A_23] : memref<79x128xi32, #tpu.memory_space<vmem>> -> memref<1x128xi32, #tpu.memory_space<vmem>>
      %dma_start3A_25 = tpu.memref_squeeze %dma_start3A_24 : memref<1x128xi32, #tpu.memory_space<vmem>> -> memref<128xi32, #tpu.memory_space<vmem>>
      %dma_start3A_26 = arith.constant 0 : i32
      %dma_start3A_27 = arith.constant 0 : i32
      %dma_start3A_28 = tpu.memref_slice %arg11[%dma_start3A_26, %dma_start3A_27] : memref<10240x64xf32, #tpu.memory_space<vmem_shared>> -> memref<10240x64xf32, #tpu.memory_space<vmem_shared>>
      tpu.enqueue_indirect_dma source(%arg9 : memref<128x64xf32, #tpu.memory_space<vmem>>) target(%dma_start3A_28 : memref<10240x64xf32, #tpu.memory_space<vmem_shared>>) offsets(%dma_start3A_25 : memref<128xi32, #tpu.memory_space<vmem>>) semaphore(%run_scoped3A_22 : memref<!tpu.dma_semaphore, #tpu.memory_space<semaphore_mem>>) {add = true}
      %dma_wait3A_29 = arith.constant 0 : i32
      %dma_wait3A_30 = tpu.memref_slice %arg8[%run_scoped3A, %dma_wait3A_29] : memref<79x128xi32, #tpu.memory_space<vmem>> -> memref<1x128xi32, #tpu.memory_space<vmem>>
      %dma_wait3A_31 = tpu.memref_squeeze %dma_wait3A_30 : memref<1x128xi32, #tpu.memory_space<vmem>> -> memref<128xi32, #tpu.memory_space<vmem>>
      %dma_wait3A_32 = arith.constant 0 : i32
      %dma_wait3A_33 = arith.constant 0 : i32
      %dma_wait3A_34 = tpu.memref_slice %arg11[%dma_wait3A_32, %dma_wait3A_33] : memref<10240x64xf32, #tpu.memory_space<vmem_shared>> -> memref<10240x64xf32, #tpu.memory_space<vmem_shared>>
      tpu.wait_indirect_dma semaphore(%run_scoped3A_22 : memref<!tpu.dma_semaphore, #tpu.memory_space<semaphore_mem>>) src(%arg9 : memref<128x64xf32, #tpu.memory_space<vmem>>) dst(%dma_wait3A_34 : memref<10240x64xf32, #tpu.memory_space<vmem_shared>>)
      tpu.yield
    }) : () -> ()
    %barrier3A_17 = arith.constant 0 : index
    tpu.barrier barrier_id(%barrier3A_17)
    %mul3A_18 = arith.constant 640 : i32
    %mul3A_19 = arith.muli %arg1, %mul3A_18 : i32
    %mul3A_20 = arith.constant 640 : i32
    %mul3A_21 = arith.muli %arg1, %mul3A_20 : i32
    "tpu.region"() ({
      %run_scoped3A_22 = tpu.sem_alloc : memref<!tpu.dma_semaphore, #tpu.memory_space<semaphore_mem>>
      %dma_start3A_23 = arith.constant 0 : i32
      %dma_start3A_24 = tpu.memref_slice %arg6[%arg0, %mul3A_21, %dma_start3A_23] : memref<2x10240x64xf32, #tpu.memory_space<hbm>> -> memref<1x640x64xf32, #tpu.memory_space<hbm>>
      %dma_start3A_25 = tpu.memref_squeeze %dma_start3A_24 : memref<1x640x64xf32, #tpu.memory_space<hbm>> -> memref<640x64xf32, #tpu.memory_space<hbm>>
      %dma_start3A_26 = arith.constant 0 : i32
      %dma_start3A_27 = tpu.memref_slice %arg11[%mul3A_19, %dma_start3A_26] : memref<10240x64xf32, #tpu.memory_space<vmem_shared>> -> memref<640x64xf32, #tpu.memory_space<vmem_shared>>
      tpu.enqueue_dma source(%dma_start3A_27 : memref<640x64xf32, #tpu.memory_space<vmem_shared>>) target(%dma_start3A_25 : memref<640x64xf32, #tpu.memory_space<hbm>>) target_semaphore(%run_scoped3A_22 : memref<!tpu.dma_semaphore, #tpu.memory_space<semaphore_mem>>)
      %dma_wait3A_28 = arith.constant 0 : i32
      %dma_wait3A_29 = tpu.memref_slice %arg6[%arg0, %mul3A_21, %dma_wait3A_28] : memref<2x10240x64xf32, #tpu.memory_space<hbm>> -> memref<1x640x64xf32, #tpu.memory_space<hbm>>
      %dma_wait3A_30 = tpu.memref_squeeze %dma_wait3A_29 : memref<1x640x64xf32, #tpu.memory_space<hbm>> -> memref<640x64xf32, #tpu.memory_space<hbm>>
      %dma_wait3A_31 = arith.constant 0 : i32
      %dma_wait3A_32 = tpu.memref_slice %arg11[%mul3A_19, %dma_wait3A_31] : memref<10240x64xf32, #tpu.memory_space<vmem_shared>> -> memref<640x64xf32, #tpu.memory_space<vmem_shared>>
      tpu.wait_dma2 semaphore(%run_scoped3A_22 : memref<!tpu.dma_semaphore, #tpu.memory_space<semaphore_mem>>) src(%dma_wait3A_32 : memref<640x64xf32, #tpu.memory_space<vmem_shared>>) dst(%dma_wait3A_30 : memref<640x64xf32, #tpu.memory_space<hbm>>)
      tpu.yield
    }) : () -> ()
    return
  }
}

module attributes {stable_mosaic.version = 14 : i64} {
  func.func @_table1_body(%arg0: memref<10000x128xf32, #tpu.memory_space<vmem>>, %arg1: memref<10000x136xf32, #tpu.memory_space<vmem>>) attributes {dimension_semantics = [], scalar_prefetch = 0 : i64, scratch_operands = 0 : i64, tpu.core_type = #tpu.core_type<tc>} {
    %get3A = arith.constant 0 : index
    %get3A_0 = arith.constant 0 : index
    %get3A_1 = vector.load %arg0[%get3A, %get3A_0] : memref<10000x128xf32, #tpu.memory_space<vmem>>, vector<10000x128xf32>
    %ne3A = arith.constant 0.000000e+00 : f32
    %ne3A_2 = vector.broadcast %ne3A : f32 to vector<10000x128xf32>
    %ne3A_3 = arith.cmpf one, %get3A_1, %ne3A_2 : vector<10000x128xf32>
    %convert_element_type3A = arith.extui %ne3A_3 : vector<10000x128xi1> to vector<10000x128xi32>
    %convert_element_type3A_4 = arith.sitofp %convert_element_type3A : vector<10000x128xi32> to vector<10000x128xf32>
    %reduce_sum3A = arith.constant dense<0.000000e+00> : vector<10000xf32>
    %reduce_sum3A_5 = vector.multi_reduction <add>, %convert_element_type3A_4, %reduce_sum3A [1] : vector<10000x128xf32> to vector<10000xf32>
    %div3A = arith.constant 1.280000e+02 : f32
    %div3A_6 = vector.broadcast %div3A : f32 to vector<10000xf32>
    %div3A_7 = arith.divf %reduce_sum3A_5, %div3A_6 : vector<10000xf32>
    %sub3A = arith.constant 1.000000e+00 : f32
    %sub3A_8 = vector.broadcast %sub3A : f32 to vector<10000xf32>
    %sub3A_9 = arith.subf %sub3A_8, %div3A_7 : vector<10000xf32>
    %add3A = arith.constant 1.000000e-15 : f32
    %add3A_10 = vector.broadcast %add3A : f32 to vector<10000x128xf32>
    %add3A_11 = arith.addf %get3A_1, %add3A_10 : vector<10000x128xf32>
    %log3A = math.log %add3A_11 : vector<10000x128xf32>
    %mul3A = arith.mulf %get3A_1, %log3A : vector<10000x128xf32>
    %reduce_sum3A_12 = arith.constant dense<0.000000e+00> : vector<10000xf32>
    %reduce_sum3A_13 = vector.multi_reduction <add>, %mul3A, %reduce_sum3A_12 [1] : vector<10000x128xf32> to vector<10000xf32>
    %neg3A = arith.constant 0.000000e+00 : f32
    %neg3A_14 = vector.broadcast %neg3A : f32 to vector<10000xf32>
    %neg3A_15 = arith.subf %neg3A_14, %reduce_sum3A_13 : vector<10000xf32>
    %reduce_min3A = vector.shape_cast %sub3A_9 : vector<10000xf32> to vector<1x10000xf32>
    %reduce_min3A_16 = arith.constant dense<0x7F800000> : vector<1xf32>
    %reduce_min3A_17 = vector.multi_reduction <minimumf>, %reduce_min3A, %reduce_min3A_16 [1] : vector<1x10000xf32> to vector<1xf32>
    %reduce_min3A_18 = vector.shape_cast %reduce_min3A_17 : vector<1xf32> to vector<1x1xf32>
    %reduce_min3A_19 = vector.extract %reduce_min3A_18[0, 0] : f32 from vector<1x1xf32>
    %sub3A_20 = vector.broadcast %reduce_min3A_19 : f32 to vector<10000xf32>
    %sub3A_21 = arith.subf %sub3A_9, %sub3A_20 : vector<10000xf32>
    %reduce_max3A = vector.shape_cast %sub3A_9 : vector<10000xf32> to vector<1x10000xf32>
    %reduce_max3A_22 = arith.constant dense<0xFF800000> : vector<1xf32>
    %reduce_max3A_23 = vector.multi_reduction <maximumf>, %reduce_max3A, %reduce_max3A_22 [1] : vector<1x10000xf32> to vector<1xf32>
    %reduce_max3A_24 = vector.shape_cast %reduce_max3A_23 : vector<1xf32> to vector<1x1xf32>
    %reduce_max3A_25 = vector.extract %reduce_max3A_24[0, 0] : f32 from vector<1x1xf32>
    %reduce_min3A_26 = vector.shape_cast %sub3A_9 : vector<10000xf32> to vector<1x10000xf32>
    %reduce_min3A_27 = arith.constant dense<0x7F800000> : vector<1xf32>
    %reduce_min3A_28 = vector.multi_reduction <minimumf>, %reduce_min3A_26, %reduce_min3A_27 [1] : vector<1x10000xf32> to vector<1xf32>
    %reduce_min3A_29 = vector.shape_cast %reduce_min3A_28 : vector<1xf32> to vector<1x1xf32>
    %reduce_min3A_30 = vector.extract %reduce_min3A_29[0, 0] : f32 from vector<1x1xf32>
    %sub3A_31 = arith.subf %reduce_max3A_25, %reduce_min3A_30 : f32
    %div3A_32 = vector.broadcast %sub3A_31 : f32 to vector<10000xf32>
    %div3A_33 = arith.divf %sub3A_21, %div3A_32 : vector<10000xf32>
    %reduce_min3A_34 = vector.shape_cast %neg3A_15 : vector<10000xf32> to vector<1x10000xf32>
    %reduce_min3A_35 = arith.constant dense<0x7F800000> : vector<1xf32>
    %reduce_min3A_36 = vector.multi_reduction <minimumf>, %reduce_min3A_34, %reduce_min3A_35 [1] : vector<1x10000xf32> to vector<1xf32>
    %reduce_min3A_37 = vector.shape_cast %reduce_min3A_36 : vector<1xf32> to vector<1x1xf32>
    %reduce_min3A_38 = vector.extract %reduce_min3A_37[0, 0] : f32 from vector<1x1xf32>
    %sub3A_39 = vector.broadcast %reduce_min3A_38 : f32 to vector<10000xf32>
    %sub3A_40 = arith.subf %neg3A_15, %sub3A_39 : vector<10000xf32>
    %reduce_max3A_41 = vector.shape_cast %neg3A_15 : vector<10000xf32> to vector<1x10000xf32>
    %reduce_max3A_42 = arith.constant dense<0xFF800000> : vector<1xf32>
    %reduce_max3A_43 = vector.multi_reduction <maximumf>, %reduce_max3A_41, %reduce_max3A_42 [1] : vector<1x10000xf32> to vector<1xf32>
    %reduce_max3A_44 = vector.shape_cast %reduce_max3A_43 : vector<1xf32> to vector<1x1xf32>
    %reduce_max3A_45 = vector.extract %reduce_max3A_44[0, 0] : f32 from vector<1x1xf32>
    %reduce_min3A_46 = vector.shape_cast %neg3A_15 : vector<10000xf32> to vector<1x10000xf32>
    %reduce_min3A_47 = arith.constant dense<0x7F800000> : vector<1xf32>
    %reduce_min3A_48 = vector.multi_reduction <minimumf>, %reduce_min3A_46, %reduce_min3A_47 [1] : vector<1x10000xf32> to vector<1xf32>
    %reduce_min3A_49 = vector.shape_cast %reduce_min3A_48 : vector<1xf32> to vector<1x1xf32>
    %reduce_min3A_50 = vector.extract %reduce_min3A_49[0, 0] : f32 from vector<1x1xf32>
    %sub3A_51 = arith.subf %reduce_max3A_45, %reduce_min3A_50 : f32
    %div3A_52 = vector.broadcast %sub3A_51 : f32 to vector<10000xf32>
    %div3A_53 = arith.divf %sub3A_40, %div3A_52 : vector<10000xf32>
    %broadcast_in_dim3A = arith.constant 0.000000e+00 : f32
    %broadcast_in_dim3A_54 = vector.broadcast %broadcast_in_dim3A : f32 to vector<10000x6xf32>
    %broadcast_in_dim3A_55 = vector.shape_cast %div3A_33 : vector<10000xf32> to vector<10000x1xf32>
    %broadcast_in_dim3A_56 = vector.shape_cast %div3A_53 : vector<10000xf32> to vector<10000x1xf32>
    %concatenate3A = tpu.concatenate %get3A_1, %broadcast_in_dim3A_55, %broadcast_in_dim3A_56, %broadcast_in_dim3A_54 in 1 : vector<10000x128xf32>, vector<10000x1xf32>, vector<10000x1xf32>, vector<10000x6xf32> -> vector<10000x136xf32>
    %swap3A = arith.constant 0 : index
    %swap3A_57 = arith.constant 0 : index
    %swap3A_58 = vector.load %arg1[%swap3A, %swap3A_57] : memref<10000x136xf32, #tpu.memory_space<vmem>>, vector<10000x136xf32>
    tpu.vector_store %arg1[%swap3A, %swap3A_57], %concatenate3A {strides = array<i32>} : memref<10000x136xf32, #tpu.memory_space<vmem>>, vector<10000x136xf32>,
    return
  }
}

module attributes {stable_mosaic.version = 14 : i64} {
  func.func @_layer1_body(%arg0: memref<2x10240x136xf32, #tpu.memory_space<any>>, %arg1: memref<130x256xf32, #tpu.memory_space<vmem>>, %arg2: memref<258x64xf32, #tpu.memory_space<vmem>>, %arg3: memref<10000x64xf32, #tpu.memory_space<vmem>>, %arg4: memref<2x1000x136xf32, #tpu.memory_space<vmem>>, %arg5: memref<2x1000x136xf32, #tpu.memory_space<vmem>>, %arg6: memref<10000x256xf32, #tpu.memory_space<vmem>>, %arg7: memref<10x1000xf32, #tpu.memory_space<vmem>>, %arg8: memref<10x1000xf32, #tpu.memory_space<vmem>>, %arg9: memref<!tpu.dma_semaphore, #tpu.memory_space<semaphore_mem>>, %arg10: memref<!tpu.dma_semaphore, #tpu.memory_space<semaphore_mem>>) attributes {dimension_semantics = [], scalar_prefetch = 0 : i64, scratch_operands = 7 : i64, tpu.core_type = #tpu.core_type<tc>} {
    %dma_start3A = arith.constant 0 : i32
    %dma_start3A_0 = arith.constant 0 : i32
    %dma_start3A_1 = arith.constant 0 : i32
    %dma_start3A_2 = tpu.memref_slice %arg0[%dma_start3A, %dma_start3A_0, %dma_start3A_1] : memref<2x10240x136xf32, #tpu.memory_space<any>> -> memref<2x1000x136xf32, #tpu.memory_space<any>>
    tpu.enqueue_dma source(%dma_start3A_2 : memref<2x1000x136xf32, #tpu.memory_space<any>>) target(%arg4 : memref<2x1000x136xf32, #tpu.memory_space<vmem>>) target_semaphore(%arg9 : memref<!tpu.dma_semaphore, #tpu.memory_space<semaphore_mem>>)
    %dma_start3A_3 = arith.constant 0 : i32
    %dma_start3A_4 = arith.constant 1000 : i32
    %dma_start3A_5 = arith.constant 0 : i32
    %dma_start3A_6 = tpu.memref_slice %arg0[%dma_start3A_3, %dma_start3A_4, %dma_start3A_5] : memref<2x10240x136xf32, #tpu.memory_space<any>> -> memref<2x1000x136xf32, #tpu.memory_space<any>>
    tpu.enqueue_dma source(%dma_start3A_6 : memref<2x1000x136xf32, #tpu.memory_space<any>>) target(%arg5 : memref<2x1000x136xf32, #tpu.memory_space<vmem>>) target_semaphore(%arg10 : memref<!tpu.dma_semaphore, #tpu.memory_space<semaphore_mem>>)
    %dma_wait3A = arith.constant 0 : i32
    %dma_wait3A_7 = arith.constant 0 : i32
    %dma_wait3A_8 = arith.constant 0 : i32
    %dma_wait3A_9 = tpu.memref_slice %arg0[%dma_wait3A, %dma_wait3A_7, %dma_wait3A_8] : memref<2x10240x136xf32, #tpu.memory_space<any>> -> memref<2x1000x136xf32, #tpu.memory_space<any>>
    tpu.wait_dma2 semaphore(%arg9 : memref<!tpu.dma_semaphore, #tpu.memory_space<semaphore_mem>>) src(%dma_wait3A_9 : memref<2x1000x136xf32, #tpu.memory_space<any>>) dst(%arg4 : memref<2x1000x136xf32, #tpu.memory_space<vmem>>)
    %get3A = arith.constant 0 : index
    %get3A_10 = arith.constant 0 : index
    %get3A_11 = arith.constant 0 : index
    %get3A_12 = vector.load %arg4[%get3A, %get3A_10, %get3A_11] : memref<2x1000x136xf32, #tpu.memory_space<vmem>>, vector<1x1000x136xf32>
    %get3A_13 = vector.shape_cast %get3A_12 : vector<1x1000x136xf32> to vector<1000x136xf32>
    %get3A_14 = arith.constant 1 : index
    %get3A_15 = arith.constant 0 : index
    %get3A_16 = arith.constant 0 : index
    %get3A_17 = vector.load %arg4[%get3A_14, %get3A_15, %get3A_16] : memref<2x1000x136xf32, #tpu.memory_space<vmem>>, vector<1x1000x136xf32>
    %get3A_18 = vector.shape_cast %get3A_17 : vector<1x1000x136xf32> to vector<1000x136xf32>
    %add3A = arith.addf %get3A_13, %get3A_18 : vector<1000x136xf32>
    %slice3A = vector.extract_strided_slice %add3A {offsets = [0, 0], sizes = [1000, 130], strides = [1, 1]} : vector<1000x136xf32> to vector<1000x130xf32>
    %get3A_19 = arith.constant 0 : index
    %get3A_20 = arith.constant 0 : index
    %get3A_21 = vector.load %arg1[%get3A_19, %get3A_20] : memref<130x256xf32, #tpu.memory_space<vmem>>, vector<130x256xf32>
    %dot_general3A = arith.constant dense<0.000000e+00> : vector<1000x256xf32>
    %dot_general3A_22 = tpu.matmul %slice3A, %get3A_21, %dot_general3A {dimension_numbers = #tpu.dot_dimension_numbers<[1], [0], [0], [1], [0, 0, 1, 1], [], []>, transpose_lhs_hint = false} : vector<1000x130xf32>, vector<130x256xf32>, vector<1000x256xf32> -> vector<1000x256xf32>
    %max3A = arith.constant 0.000000e+00 : f32
    %max3A_23 = vector.broadcast %max3A : f32 to vector<1000x256xf32>
    %max3A_24 = arith.maximumf %dot_general3A_22, %max3A_23 : vector<1000x256xf32>
    %swap3A = arith.constant 0 : index
    %swap3A_25 = arith.constant 0 : index
    %swap3A_26 = vector.load %arg6[%swap3A, %swap3A_25] : memref<10000x256xf32, #tpu.memory_space<vmem>>, vector<1000x256xf32>
    tpu.vector_store %arg6[%swap3A, %swap3A_25], %max3A_24 {strides = array<i32>} : memref<10000x256xf32, #tpu.memory_space<vmem>>, vector<1000x256xf32>,
    %ne3A = arith.constant 0.000000e+00 : f32
    %ne3A_27 = vector.broadcast %ne3A : f32 to vector<1000x256xf32>
    %ne3A_28 = arith.cmpf one, %max3A_24, %ne3A_27 : vector<1000x256xf32>
    %convert_element_type3A = arith.extui %ne3A_28 : vector<1000x256xi1> to vector<1000x256xi32>
    %convert_element_type3A_29 = arith.sitofp %convert_element_type3A : vector<1000x256xi32> to vector<1000x256xf32>
    %reduce_sum3A = arith.constant dense<0.000000e+00> : vector<1000xf32>
    %reduce_sum3A_30 = vector.multi_reduction <add>, %convert_element_type3A_29, %reduce_sum3A [1] : vector<1000x256xf32> to vector<1000xf32>
    %div3A = arith.constant 2.560000e+02 : f32
    %div3A_31 = vector.broadcast %div3A : f32 to vector<1000xf32>
    %div3A_32 = arith.divf %reduce_sum3A_30, %div3A_31 : vector<1000xf32>
    %sub3A = arith.constant 1.000000e+00 : f32
    %sub3A_33 = vector.broadcast %sub3A : f32 to vector<1000xf32>
    %sub3A_34 = arith.subf %sub3A_33, %div3A_32 : vector<1000xf32>
    %swap3A_35 = arith.constant 0 : index
    %swap3A_36 = arith.constant 0 : index
    %swap3A_37 = vector.load %arg7[%swap3A_35, %swap3A_36] : memref<10x1000xf32, #tpu.memory_space<vmem>>, vector<1x1000xf32>
    %swap3A_38 = vector.shape_cast %swap3A_37 : vector<1x1000xf32> to vector<1000xf32>
    %swap3A_39 = vector.shape_cast %sub3A_34 : vector<1000xf32> to vector<1x1000xf32>
    tpu.vector_store %arg7[%swap3A_35, %swap3A_36], %swap3A_39 {strides = array<i32>} : memref<10x1000xf32, #tpu.memory_space<vmem>>, vector<1x1000xf32>,
    %add3A_40 = arith.constant 1.000000e-15 : f32
    %add3A_41 = vector.broadcast %add3A_40 : f32 to vector<1000x256xf32>
    %add3A_42 = arith.addf %max3A_24, %add3A_41 : vector<1000x256xf32>
    %log3A = math.log %add3A_42 : vector<1000x256xf32>
    %mul3A = arith.mulf %max3A_24, %log3A : vector<1000x256xf32>
    %reduce_sum3A_43 = arith.constant dense<0.000000e+00> : vector<1000xf32>
    %reduce_sum3A_44 = vector.multi_reduction <add>, %mul3A, %reduce_sum3A_43 [1] : vector<1000x256xf32> to vector<1000xf32>
    %neg3A = arith.constant 0.000000e+00 : f32
    %neg3A_45 = vector.broadcast %neg3A : f32 to vector<1000xf32>
    %neg3A_46 = arith.subf %neg3A_45, %reduce_sum3A_44 : vector<1000xf32>
    %swap3A_47 = arith.constant 0 : index
    %swap3A_48 = arith.constant 0 : index
    %swap3A_49 = vector.load %arg8[%swap3A_47, %swap3A_48] : memref<10x1000xf32, #tpu.memory_space<vmem>>, vector<1x1000xf32>
    %swap3A_50 = vector.shape_cast %swap3A_49 : vector<1x1000xf32> to vector<1000xf32>
    %swap3A_51 = vector.shape_cast %neg3A_46 : vector<1000xf32> to vector<1x1000xf32>
    tpu.vector_store %arg8[%swap3A_47, %swap3A_48], %swap3A_51 {strides = array<i32>} : memref<10x1000xf32, #tpu.memory_space<vmem>>, vector<1x1000xf32>,
    %dma_start3A_52 = arith.constant 0 : i32
    %dma_start3A_53 = arith.constant 2000 : i32
    %dma_start3A_54 = arith.constant 0 : i32
    %dma_start3A_55 = tpu.memref_slice %arg0[%dma_start3A_52, %dma_start3A_53, %dma_start3A_54] : memref<2x10240x136xf32, #tpu.memory_space<any>> -> memref<2x1000x136xf32, #tpu.memory_space<any>>
    tpu.enqueue_dma source(%dma_start3A_55 : memref<2x1000x136xf32, #tpu.memory_space<any>>) target(%arg4 : memref<2x1000x136xf32, #tpu.memory_space<vmem>>) target_semaphore(%arg9 : memref<!tpu.dma_semaphore, #tpu.memory_space<semaphore_mem>>)
    %dma_wait3A_56 = arith.constant 0 : i32
    %dma_wait3A_57 = arith.constant 1000 : i32
    %dma_wait3A_58 = arith.constant 0 : i32
    %dma_wait3A_59 = tpu.memref_slice %arg0[%dma_wait3A_56, %dma_wait3A_57, %dma_wait3A_58] : memref<2x10240x136xf32, #tpu.memory_space<any>> -> memref<2x1000x136xf32, #tpu.memory_space<any>>
    tpu.wait_dma2 semaphore(%arg10 : memref<!tpu.dma_semaphore, #tpu.memory_space<semaphore_mem>>) src(%dma_wait3A_59 : memref<2x1000x136xf32, #tpu.memory_space<any>>) dst(%arg5 : memref<2x1000x136xf32, #tpu.memory_space<vmem>>)
    %get3A_60 = arith.constant 0 : index
    %get3A_61 = arith.constant 0 : index
    %get3A_62 = arith.constant 0 : index
    %get3A_63 = vector.load %arg5[%get3A_60, %get3A_61, %get3A_62] : memref<2x1000x136xf32, #tpu.memory_space<vmem>>, vector<1x1000x136xf32>
    %get3A_64 = vector.shape_cast %get3A_63 : vector<1x1000x136xf32> to vector<1000x136xf32>
    %get3A_65 = arith.constant 1 : index
    %get3A_66 = arith.constant 0 : index
    %get3A_67 = arith.constant 0 : index
    %get3A_68 = vector.load %arg5[%get3A_65, %get3A_66, %get3A_67] : memref<2x1000x136xf32, #tpu.memory_space<vmem>>, vector<1x1000x136xf32>
    %get3A_69 = vector.shape_cast %get3A_68 : vector<1x1000x136xf32> to vector<1000x136xf32>
    %add3A_70 = arith.addf %get3A_64, %get3A_69 : vector<1000x136xf32>
    %slice3A_71 = vector.extract_strided_slice %add3A_70 {offsets = [0, 0], sizes = [1000, 130], strides = [1, 1]} : vector<1000x136xf32> to vector<1000x130xf32>
    %get3A_72 = arith.constant 0 : index
    %get3A_73 = arith.constant 0 : index
    %get3A_74 = vector.load %arg1[%get3A_72, %get3A_73] : memref<130x256xf32, #tpu.memory_space<vmem>>, vector<130x256xf32>
    %dot_general3A_75 = arith.constant dense<0.000000e+00> : vector<1000x256xf32>
    %dot_general3A_76 = tpu.matmul %slice3A_71, %get3A_74, %dot_general3A_75 {dimension_numbers = #tpu.dot_dimension_numbers<[1], [0], [0], [1], [0, 0, 1, 1], [], []>, transpose_lhs_hint = false} : vector<1000x130xf32>, vector<130x256xf32>, vector<1000x256xf32> -> vector<1000x256xf32>
    %max3A_77 = arith.constant 0.000000e+00 : f32
    %max3A_78 = vector.broadcast %max3A_77 : f32 to vector<1000x256xf32>
    %max3A_79 = arith.maximumf %dot_general3A_76, %max3A_78 : vector<1000x256xf32>
    %swap3A_80 = arith.constant 1000 : index
    %swap3A_81 = arith.constant 0 : index
    %swap3A_82 = vector.load %arg6[%swap3A_80, %swap3A_81] : memref<10000x256xf32, #tpu.memory_space<vmem>>, vector<1000x256xf32>
    tpu.vector_store %arg6[%swap3A_80, %swap3A_81], %max3A_79 {strides = array<i32>} : memref<10000x256xf32, #tpu.memory_space<vmem>>, vector<1000x256xf32>,
    %ne3A_83 = arith.constant 0.000000e+00 : f32
    %ne3A_84 = vector.broadcast %ne3A_83 : f32 to vector<1000x256xf32>
    %ne3A_85 = arith.cmpf one, %max3A_79, %ne3A_84 : vector<1000x256xf32>
    %convert_element_type3A_86 = arith.extui %ne3A_85 : vector<1000x256xi1> to vector<1000x256xi32>
    %convert_element_type3A_87 = arith.sitofp %convert_element_type3A_86 : vector<1000x256xi32> to vector<1000x256xf32>
    %reduce_sum3A_88 = arith.constant dense<0.000000e+00> : vector<1000xf32>
    %reduce_sum3A_89 = vector.multi_reduction <add>, %convert_element_type3A_87, %reduce_sum3A_88 [1] : vector<1000x256xf32> to vector<1000xf32>
    %div3A_90 = arith.constant 2.560000e+02 : f32
    %div3A_91 = vector.broadcast %div3A_90 : f32 to vector<1000xf32>
    %div3A_92 = arith.divf %reduce_sum3A_89, %div3A_91 : vector<1000xf32>
    %sub3A_93 = arith.constant 1.000000e+00 : f32
    %sub3A_94 = vector.broadcast %sub3A_93 : f32 to vector<1000xf32>
    %sub3A_95 = arith.subf %sub3A_94, %div3A_92 : vector<1000xf32>
    %swap3A_96 = arith.constant 1 : index
    %swap3A_97 = arith.constant 0 : index
    %swap3A_98 = vector.load %arg7[%swap3A_96, %swap3A_97] : memref<10x1000xf32, #tpu.memory_space<vmem>>, vector<1x1000xf32>
    %swap3A_99 = vector.shape_cast %swap3A_98 : vector<1x1000xf32> to vector<1000xf32>
    %swap3A_100 = vector.shape_cast %sub3A_95 : vector<1000xf32> to vector<1x1000xf32>
    tpu.vector_store %arg7[%swap3A_96, %swap3A_97], %swap3A_100 {strides = array<i32>} : memref<10x1000xf32, #tpu.memory_space<vmem>>, vector<1x1000xf32>,
    %add3A_101 = arith.constant 1.000000e-15 : f32
    %add3A_102 = vector.broadcast %add3A_101 : f32 to vector<1000x256xf32>
    %add3A_103 = arith.addf %max3A_79, %add3A_102 : vector<1000x256xf32>
    %log3A_104 = math.log %add3A_103 : vector<1000x256xf32>
    %mul3A_105 = arith.mulf %max3A_79, %log3A_104 : vector<1000x256xf32>
    %reduce_sum3A_106 = arith.constant dense<0.000000e+00> : vector<1000xf32>
    %reduce_sum3A_107 = vector.multi_reduction <add>, %mul3A_105, %reduce_sum3A_106 [1] : vector<1000x256xf32> to vector<1000xf32>
    %neg3A_108 = arith.constant 0.000000e+00 : f32
    %neg3A_109 = vector.broadcast %neg3A_108 : f32 to vector<1000xf32>
    %neg3A_110 = arith.subf %neg3A_109, %reduce_sum3A_107 : vector<1000xf32>
    %swap3A_111 = arith.constant 1 : index
    %swap3A_112 = arith.constant 0 : index
    %swap3A_113 = vector.load %arg8[%swap3A_111, %swap3A_112] : memref<10x1000xf32, #tpu.memory_space<vmem>>, vector<1x1000xf32>
    %swap3A_114 = vector.shape_cast %swap3A_113 : vector<1x1000xf32> to vector<1000xf32>
    %swap3A_115 = vector.shape_cast %neg3A_110 : vector<1000xf32> to vector<1x1000xf32>
    tpu.vector_store %arg8[%swap3A_111, %swap3A_112], %swap3A_115 {strides = array<i32>} : memref<10x1000xf32, #tpu.memory_space<vmem>>, vector<1x1000xf32>,
    %dma_start3A_116 = arith.constant 0 : i32
    %dma_start3A_117 = arith.constant 3000 : i32
    %dma_start3A_118 = arith.constant 0 : i32
    %dma_start3A_119 = tpu.memref_slice %arg0[%dma_start3A_116, %dma_start3A_117, %dma_start3A_118] : memref<2x10240x136xf32, #tpu.memory_space<any>> -> memref<2x1000x136xf32, #tpu.memory_space<any>>
    tpu.enqueue_dma source(%dma_start3A_119 : memref<2x1000x136xf32, #tpu.memory_space<any>>) target(%arg5 : memref<2x1000x136xf32, #tpu.memory_space<vmem>>) target_semaphore(%arg10 : memref<!tpu.dma_semaphore, #tpu.memory_space<semaphore_mem>>)
    %dma_wait3A_120 = arith.constant 0 : i32
    %dma_wait3A_121 = arith.constant 2000 : i32
    %dma_wait3A_122 = arith.constant 0 : i32
    %dma_wait3A_123 = tpu.memref_slice %arg0[%dma_wait3A_120, %dma_wait3A_121, %dma_wait3A_122] : memref<2x10240x136xf32, #tpu.memory_space<any>> -> memref<2x1000x136xf32, #tpu.memory_space<any>>
    tpu.wait_dma2 semaphore(%arg9 : memref<!tpu.dma_semaphore, #tpu.memory_space<semaphore_mem>>) src(%dma_wait3A_123 : memref<2x1000x136xf32, #tpu.memory_space<any>>) dst(%arg4 : memref<2x1000x136xf32, #tpu.memory_space<vmem>>)
    %get3A_124 = arith.constant 0 : index
    %get3A_125 = arith.constant 0 : index
    %get3A_126 = arith.constant 0 : index
    %get3A_127 = vector.load %arg4[%get3A_124, %get3A_125, %get3A_126] : memref<2x1000x136xf32, #tpu.memory_space<vmem>>, vector<1x1000x136xf32>
    %get3A_128 = vector.shape_cast %get3A_127 : vector<1x1000x136xf32> to vector<1000x136xf32>
    %get3A_129 = arith.constant 1 : index
    %get3A_130 = arith.constant 0 : index
    %get3A_131 = arith.constant 0 : index
    %get3A_132 = vector.load %arg4[%get3A_129, %get3A_130, %get3A_131] : memref<2x1000x136xf32, #tpu.memory_space<vmem>>, vector<1x1000x136xf32>
    %get3A_133 = vector.shape_cast %get3A_132 : vector<1x1000x136xf32> to vector<1000x136xf32>
    %add3A_134 = arith.addf %get3A_128, %get3A_133 : vector<1000x136xf32>
    %slice3A_135 = vector.extract_strided_slice %add3A_134 {offsets = [0, 0], sizes = [1000, 130], strides = [1, 1]} : vector<1000x136xf32> to vector<1000x130xf32>
    %get3A_136 = arith.constant 0 : index
    %get3A_137 = arith.constant 0 : index
    %get3A_138 = vector.load %arg1[%get3A_136, %get3A_137] : memref<130x256xf32, #tpu.memory_space<vmem>>, vector<130x256xf32>
    %dot_general3A_139 = arith.constant dense<0.000000e+00> : vector<1000x256xf32>
    %dot_general3A_140 = tpu.matmul %slice3A_135, %get3A_138, %dot_general3A_139 {dimension_numbers = #tpu.dot_dimension_numbers<[1], [0], [0], [1], [0, 0, 1, 1], [], []>, transpose_lhs_hint = false} : vector<1000x130xf32>, vector<130x256xf32>, vector<1000x256xf32> -> vector<1000x256xf32>
    %max3A_141 = arith.constant 0.000000e+00 : f32
    %max3A_142 = vector.broadcast %max3A_141 : f32 to vector<1000x256xf32>
    %max3A_143 = arith.maximumf %dot_general3A_140, %max3A_142 : vector<1000x256xf32>
    %swap3A_144 = arith.constant 2000 : index
    %swap3A_145 = arith.constant 0 : index
    %swap3A_146 = vector.load %arg6[%swap3A_144, %swap3A_145] : memref<10000x256xf32, #tpu.memory_space<vmem>>, vector<1000x256xf32>
    tpu.vector_store %arg6[%swap3A_144, %swap3A_145], %max3A_143 {strides = array<i32>} : memref<10000x256xf32, #tpu.memory_space<vmem>>, vector<1000x256xf32>,
    %ne3A_147 = arith.constant 0.000000e+00 : f32
    %ne3A_148 = vector.broadcast %ne3A_147 : f32 to vector<1000x256xf32>
    %ne3A_149 = arith.cmpf one, %max3A_143, %ne3A_148 : vector<1000x256xf32>
    %convert_element_type3A_150 = arith.extui %ne3A_149 : vector<1000x256xi1> to vector<1000x256xi32>
    %convert_element_type3A_151 = arith.sitofp %convert_element_type3A_150 : vector<1000x256xi32> to vector<1000x256xf32>
    %reduce_sum3A_152 = arith.constant dense<0.000000e+00> : vector<1000xf32>
    %reduce_sum3A_153 = vector.multi_reduction <add>, %convert_element_type3A_151, %reduce_sum3A_152 [1] : vector<1000x256xf32> to vector<1000xf32>
    %div3A_154 = arith.constant 2.560000e+02 : f32
    %div3A_155 = vector.broadcast %div3A_154 : f32 to vector<1000xf32>
    %div3A_156 = arith.divf %reduce_sum3A_153, %div3A_155 : vector<1000xf32>
    %sub3A_157 = arith.constant 1.000000e+00 : f32
    %sub3A_158 = vector.broadcast %sub3A_157 : f32 to vector<1000xf32>
    %sub3A_159 = arith.subf %sub3A_158, %div3A_156 : vector<1000xf32>
    %swap3A_160 = arith.constant 2 : index
    %swap3A_161 = arith.constant 0 : index
    %swap3A_162 = vector.load %arg7[%swap3A_160, %swap3A_161] : memref<10x1000xf32, #tpu.memory_space<vmem>>, vector<1x1000xf32>
    %swap3A_163 = vector.shape_cast %swap3A_162 : vector<1x1000xf32> to vector<1000xf32>
    %swap3A_164 = vector.shape_cast %sub3A_159 : vector<1000xf32> to vector<1x1000xf32>
    tpu.vector_store %arg7[%swap3A_160, %swap3A_161], %swap3A_164 {strides = array<i32>} : memref<10x1000xf32, #tpu.memory_space<vmem>>, vector<1x1000xf32>,
    %add3A_165 = arith.constant 1.000000e-15 : f32
    %add3A_166 = vector.broadcast %add3A_165 : f32 to vector<1000x256xf32>
    %add3A_167 = arith.addf %max3A_143, %add3A_166 : vector<1000x256xf32>
    %log3A_168 = math.log %add3A_167 : vector<1000x256xf32>
    %mul3A_169 = arith.mulf %max3A_143, %log3A_168 : vector<1000x256xf32>
    %reduce_sum3A_170 = arith.constant dense<0.000000e+00> : vector<1000xf32>
    %reduce_sum3A_171 = vector.multi_reduction <add>, %mul3A_169, %reduce_sum3A_170 [1] : vector<1000x256xf32> to vector<1000xf32>
    %neg3A_172 = arith.constant 0.000000e+00 : f32
    %neg3A_173 = vector.broadcast %neg3A_172 : f32 to vector<1000xf32>
    %neg3A_174 = arith.subf %neg3A_173, %reduce_sum3A_171 : vector<1000xf32>
    %swap3A_175 = arith.constant 2 : index
    %swap3A_176 = arith.constant 0 : index
    %swap3A_177 = vector.load %arg8[%swap3A_175, %swap3A_176] : memref<10x1000xf32, #tpu.memory_space<vmem>>, vector<1x1000xf32>
    %swap3A_178 = vector.shape_cast %swap3A_177 : vector<1x1000xf32> to vector<1000xf32>
    %swap3A_179 = vector.shape_cast %neg3A_174 : vector<1000xf32> to vector<1x1000xf32>
    tpu.vector_store %arg8[%swap3A_175, %swap3A_176], %swap3A_179 {strides = array<i32>} : memref<10x1000xf32, #tpu.memory_space<vmem>>, vector<1x1000xf32>,
    %dma_start3A_180 = arith.constant 0 : i32
    %dma_start3A_181 = arith.constant 4000 : i32
    %dma_start3A_182 = arith.constant 0 : i32
    %dma_start3A_183 = tpu.memref_slice %arg0[%dma_start3A_180, %dma_start3A_181, %dma_start3A_182] : memref<2x10240x136xf32, #tpu.memory_space<any>> -> memref<2x1000x136xf32, #tpu.memory_space<any>>
    tpu.enqueue_dma source(%dma_start3A_183 : memref<2x1000x136xf32, #tpu.memory_space<any>>) target(%arg4 : memref<2x1000x136xf32, #tpu.memory_space<vmem>>) target_semaphore(%arg9 : memref<!tpu.dma_semaphore, #tpu.memory_space<semaphore_mem>>)
    %dma_wait3A_184 = arith.constant 0 : i32
    %dma_wait3A_185 = arith.constant 3000 : i32
    %dma_wait3A_186 = arith.constant 0 : i32
    %dma_wait3A_187 = tpu.memref_slice %arg0[%dma_wait3A_184, %dma_wait3A_185, %dma_wait3A_186] : memref<2x10240x136xf32, #tpu.memory_space<any>> -> memref<2x1000x136xf32, #tpu.memory_space<any>>
    tpu.wait_dma2 semaphore(%arg10 : memref<!tpu.dma_semaphore, #tpu.memory_space<semaphore_mem>>) src(%dma_wait3A_187 : memref<2x1000x136xf32, #tpu.memory_space<any>>) dst(%arg5 : memref<2x1000x136xf32, #tpu.memory_space<vmem>>)
    %get3A_188 = arith.constant 0 : index
    %get3A_189 = arith.constant 0 : index
    %get3A_190 = arith.constant 0 : index
    %get3A_191 = vector.load %arg5[%get3A_188, %get3A_189, %get3A_190] : memref<2x1000x136xf32, #tpu.memory_space<vmem>>, vector<1x1000x136xf32>
    %get3A_192 = vector.shape_cast %get3A_191 : vector<1x1000x136xf32> to vector<1000x136xf32>
    %get3A_193 = arith.constant 1 : index
    %get3A_194 = arith.constant 0 : index
    %get3A_195 = arith.constant 0 : index
    %get3A_196 = vector.load %arg5[%get3A_193, %get3A_194, %get3A_195] : memref<2x1000x136xf32, #tpu.memory_space<vmem>>, vector<1x1000x136xf32>
    %get3A_197 = vector.shape_cast %get3A_196 : vector<1x1000x136xf32> to vector<1000x136xf32>
    %add3A_198 = arith.addf %get3A_192, %get3A_197 : vector<1000x136xf32>
    %slice3A_199 = vector.extract_strided_slice %add3A_198 {offsets = [0, 0], sizes = [1000, 130], strides = [1, 1]} : vector<1000x136xf32> to vector<1000x130xf32>
    %get3A_200 = arith.constant 0 : index
    %get3A_201 = arith.constant 0 : index
    %get3A_202 = vector.load %arg1[%get3A_200, %get3A_201] : memref<130x256xf32, #tpu.memory_space<vmem>>, vector<130x256xf32>
    %dot_general3A_203 = arith.constant dense<0.000000e+00> : vector<1000x256xf32>
    %dot_general3A_204 = tpu.matmul %slice3A_199, %get3A_202, %dot_general3A_203 {dimension_numbers = #tpu.dot_dimension_numbers<[1], [0], [0], [1], [0, 0, 1, 1], [], []>, transpose_lhs_hint = false} : vector<1000x130xf32>, vector<130x256xf32>, vector<1000x256xf32> -> vector<1000x256xf32>
    %max3A_205 = arith.constant 0.000000e+00 : f32
    %max3A_206 = vector.broadcast %max3A_205 : f32 to vector<1000x256xf32>
    %max3A_207 = arith.maximumf %dot_general3A_204, %max3A_206 : vector<1000x256xf32>
    %swap3A_208 = arith.constant 3000 : index
    %swap3A_209 = arith.constant 0 : index
    %swap3A_210 = vector.load %arg6[%swap3A_208, %swap3A_209] : memref<10000x256xf32, #tpu.memory_space<vmem>>, vector<1000x256xf32>
    tpu.vector_store %arg6[%swap3A_208, %swap3A_209], %max3A_207 {strides = array<i32>} : memref<10000x256xf32, #tpu.memory_space<vmem>>, vector<1000x256xf32>,
    %ne3A_211 = arith.constant 0.000000e+00 : f32
    %ne3A_212 = vector.broadcast %ne3A_211 : f32 to vector<1000x256xf32>
    %ne3A_213 = arith.cmpf one, %max3A_207, %ne3A_212 : vector<1000x256xf32>
    %convert_element_type3A_214 = arith.extui %ne3A_213 : vector<1000x256xi1> to vector<1000x256xi32>
    %convert_element_type3A_215 = arith.sitofp %convert_element_type3A_214 : vector<1000x256xi32> to vector<1000x256xf32>
    %reduce_sum3A_216 = arith.constant dense<0.000000e+00> : vector<1000xf32>
    %reduce_sum3A_217 = vector.multi_reduction <add>, %convert_element_type3A_215, %reduce_sum3A_216 [1] : vector<1000x256xf32> to vector<1000xf32>
    %div3A_218 = arith.constant 2.560000e+02 : f32
    %div3A_219 = vector.broadcast %div3A_218 : f32 to vector<1000xf32>
    %div3A_220 = arith.divf %reduce_sum3A_217, %div3A_219 : vector<1000xf32>
    %sub3A_221 = arith.constant 1.000000e+00 : f32
    %sub3A_222 = vector.broadcast %sub3A_221 : f32 to vector<1000xf32>
    %sub3A_223 = arith.subf %sub3A_222, %div3A_220 : vector<1000xf32>
    %swap3A_224 = arith.constant 3 : index
    %swap3A_225 = arith.constant 0 : index
    %swap3A_226 = vector.load %arg7[%swap3A_224, %swap3A_225] : memref<10x1000xf32, #tpu.memory_space<vmem>>, vector<1x1000xf32>
    %swap3A_227 = vector.shape_cast %swap3A_226 : vector<1x1000xf32> to vector<1000xf32>
    %swap3A_228 = vector.shape_cast %sub3A_223 : vector<1000xf32> to vector<1x1000xf32>
    tpu.vector_store %arg7[%swap3A_224, %swap3A_225], %swap3A_228 {strides = array<i32>} : memref<10x1000xf32, #tpu.memory_space<vmem>>, vector<1x1000xf32>,
    %add3A_229 = arith.constant 1.000000e-15 : f32
    %add3A_230 = vector.broadcast %add3A_229 : f32 to vector<1000x256xf32>
    %add3A_231 = arith.addf %max3A_207, %add3A_230 : vector<1000x256xf32>
    %log3A_232 = math.log %add3A_231 : vector<1000x256xf32>
    %mul3A_233 = arith.mulf %max3A_207, %log3A_232 : vector<1000x256xf32>
    %reduce_sum3A_234 = arith.constant dense<0.000000e+00> : vector<1000xf32>
    %reduce_sum3A_235 = vector.multi_reduction <add>, %mul3A_233, %reduce_sum3A_234 [1] : vector<1000x256xf32> to vector<1000xf32>
    %neg3A_236 = arith.constant 0.000000e+00 : f32
    %neg3A_237 = vector.broadcast %neg3A_236 : f32 to vector<1000xf32>
    %neg3A_238 = arith.subf %neg3A_237, %reduce_sum3A_235 : vector<1000xf32>
    %swap3A_239 = arith.constant 3 : index
    %swap3A_240 = arith.constant 0 : index
    %swap3A_241 = vector.load %arg8[%swap3A_239, %swap3A_240] : memref<10x1000xf32, #tpu.memory_space<vmem>>, vector<1x1000xf32>
    %swap3A_242 = vector.shape_cast %swap3A_241 : vector<1x1000xf32> to vector<1000xf32>
    %swap3A_243 = vector.shape_cast %neg3A_238 : vector<1000xf32> to vector<1x1000xf32>
    tpu.vector_store %arg8[%swap3A_239, %swap3A_240], %swap3A_243 {strides = array<i32>} : memref<10x1000xf32, #tpu.memory_space<vmem>>, vector<1x1000xf32>,
    %dma_start3A_244 = arith.constant 0 : i32
    %dma_start3A_245 = arith.constant 5000 : i32
    %dma_start3A_246 = arith.constant 0 : i32
    %dma_start3A_247 = tpu.memref_slice %arg0[%dma_start3A_244, %dma_start3A_245, %dma_start3A_246] : memref<2x10240x136xf32, #tpu.memory_space<any>> -> memref<2x1000x136xf32, #tpu.memory_space<any>>
    tpu.enqueue_dma source(%dma_start3A_247 : memref<2x1000x136xf32, #tpu.memory_space<any>>) target(%arg5 : memref<2x1000x136xf32, #tpu.memory_space<vmem>>) target_semaphore(%arg10 : memref<!tpu.dma_semaphore, #tpu.memory_space<semaphore_mem>>)
    %dma_wait3A_248 = arith.constant 0 : i32
    %dma_wait3A_249 = arith.constant 4000 : i32
    %dma_wait3A_250 = arith.constant 0 : i32
    %dma_wait3A_251 = tpu.memref_slice %arg0[%dma_wait3A_248, %dma_wait3A_249, %dma_wait3A_250] : memref<2x10240x136xf32, #tpu.memory_space<any>> -> memref<2x1000x136xf32, #tpu.memory_space<any>>
    tpu.wait_dma2 semaphore(%arg9 : memref<!tpu.dma_semaphore, #tpu.memory_space<semaphore_mem>>) src(%dma_wait3A_251 : memref<2x1000x136xf32, #tpu.memory_space<any>>) dst(%arg4 : memref<2x1000x136xf32, #tpu.memory_space<vmem>>)
    %get3A_252 = arith.constant 0 : index
    %get3A_253 = arith.constant 0 : index
    %get3A_254 = arith.constant 0 : index
    %get3A_255 = vector.load %arg4[%get3A_252, %get3A_253, %get3A_254] : memref<2x1000x136xf32, #tpu.memory_space<vmem>>, vector<1x1000x136xf32>
    %get3A_256 = vector.shape_cast %get3A_255 : vector<1x1000x136xf32> to vector<1000x136xf32>
    %get3A_257 = arith.constant 1 : index
    %get3A_258 = arith.constant 0 : index
    %get3A_259 = arith.constant 0 : index
    %get3A_260 = vector.load %arg4[%get3A_257, %get3A_258, %get3A_259] : memref<2x1000x136xf32, #tpu.memory_space<vmem>>, vector<1x1000x136xf32>
    %get3A_261 = vector.shape_cast %get3A_260 : vector<1x1000x136xf32> to vector<1000x136xf32>
    %add3A_262 = arith.addf %get3A_256, %get3A_261 : vector<1000x136xf32>
    %slice3A_263 = vector.extract_strided_slice %add3A_262 {offsets = [0, 0], sizes = [1000, 130], strides = [1, 1]} : vector<1000x136xf32> to vector<1000x130xf32>
    %get3A_264 = arith.constant 0 : index
    %get3A_265 = arith.constant 0 : index
    %get3A_266 = vector.load %arg1[%get3A_264, %get3A_265] : memref<130x256xf32, #tpu.memory_space<vmem>>, vector<130x256xf32>
    %dot_general3A_267 = arith.constant dense<0.000000e+00> : vector<1000x256xf32>
    %dot_general3A_268 = tpu.matmul %slice3A_263, %get3A_266, %dot_general3A_267 {dimension_numbers = #tpu.dot_dimension_numbers<[1], [0], [0], [1], [0, 0, 1, 1], [], []>, transpose_lhs_hint = false} : vector<1000x130xf32>, vector<130x256xf32>, vector<1000x256xf32> -> vector<1000x256xf32>
    %max3A_269 = arith.constant 0.000000e+00 : f32
    %max3A_270 = vector.broadcast %max3A_269 : f32 to vector<1000x256xf32>
    %max3A_271 = arith.maximumf %dot_general3A_268, %max3A_270 : vector<1000x256xf32>
    %swap3A_272 = arith.constant 4000 : index
    %swap3A_273 = arith.constant 0 : index
    %swap3A_274 = vector.load %arg6[%swap3A_272, %swap3A_273] : memref<10000x256xf32, #tpu.memory_space<vmem>>, vector<1000x256xf32>
    tpu.vector_store %arg6[%swap3A_272, %swap3A_273], %max3A_271 {strides = array<i32>} : memref<10000x256xf32, #tpu.memory_space<vmem>>, vector<1000x256xf32>,
    %ne3A_275 = arith.constant 0.000000e+00 : f32
    %ne3A_276 = vector.broadcast %ne3A_275 : f32 to vector<1000x256xf32>
    %ne3A_277 = arith.cmpf one, %max3A_271, %ne3A_276 : vector<1000x256xf32>
    %convert_element_type3A_278 = arith.extui %ne3A_277 : vector<1000x256xi1> to vector<1000x256xi32>
    %convert_element_type3A_279 = arith.sitofp %convert_element_type3A_278 : vector<1000x256xi32> to vector<1000x256xf32>
    %reduce_sum3A_280 = arith.constant dense<0.000000e+00> : vector<1000xf32>
    %reduce_sum3A_281 = vector.multi_reduction <add>, %convert_element_type3A_279, %reduce_sum3A_280 [1] : vector<1000x256xf32> to vector<1000xf32>
    %div3A_282 = arith.constant 2.560000e+02 : f32
    %div3A_283 = vector.broadcast %div3A_282 : f32 to vector<1000xf32>
    %div3A_284 = arith.divf %reduce_sum3A_281, %div3A_283 : vector<1000xf32>
    %sub3A_285 = arith.constant 1.000000e+00 : f32
    %sub3A_286 = vector.broadcast %sub3A_285 : f32 to vector<1000xf32>
    %sub3A_287 = arith.subf %sub3A_286, %div3A_284 : vector<1000xf32>
    %swap3A_288 = arith.constant 4 : index
    %swap3A_289 = arith.constant 0 : index
    %swap3A_290 = vector.load %arg7[%swap3A_288, %swap3A_289] : memref<10x1000xf32, #tpu.memory_space<vmem>>, vector<1x1000xf32>
    %swap3A_291 = vector.shape_cast %swap3A_290 : vector<1x1000xf32> to vector<1000xf32>
    %swap3A_292 = vector.shape_cast %sub3A_287 : vector<1000xf32> to vector<1x1000xf32>
    tpu.vector_store %arg7[%swap3A_288, %swap3A_289], %swap3A_292 {strides = array<i32>} : memref<10x1000xf32, #tpu.memory_space<vmem>>, vector<1x1000xf32>,
    %add3A_293 = arith.constant 1.000000e-15 : f32
    %add3A_294 = vector.broadcast %add3A_293 : f32 to vector<1000x256xf32>
    %add3A_295 = arith.addf %max3A_271, %add3A_294 : vector<1000x256xf32>
    %log3A_296 = math.log %add3A_295 : vector<1000x256xf32>
    %mul3A_297 = arith.mulf %max3A_271, %log3A_296 : vector<1000x256xf32>
    %reduce_sum3A_298 = arith.constant dense<0.000000e+00> : vector<1000xf32>
    %reduce_sum3A_299 = vector.multi_reduction <add>, %mul3A_297, %reduce_sum3A_298 [1] : vector<1000x256xf32> to vector<1000xf32>
    %neg3A_300 = arith.constant 0.000000e+00 : f32
    %neg3A_301 = vector.broadcast %neg3A_300 : f32 to vector<1000xf32>
    %neg3A_302 = arith.subf %neg3A_301, %reduce_sum3A_299 : vector<1000xf32>
    %swap3A_303 = arith.constant 4 : index
    %swap3A_304 = arith.constant 0 : index
    %swap3A_305 = vector.load %arg8[%swap3A_303, %swap3A_304] : memref<10x1000xf32, #tpu.memory_space<vmem>>, vector<1x1000xf32>
    %swap3A_306 = vector.shape_cast %swap3A_305 : vector<1x1000xf32> to vector<1000xf32>
    %swap3A_307 = vector.shape_cast %neg3A_302 : vector<1000xf32> to vector<1x1000xf32>
    tpu.vector_store %arg8[%swap3A_303, %swap3A_304], %swap3A_307 {strides = array<i32>} : memref<10x1000xf32, #tpu.memory_space<vmem>>, vector<1x1000xf32>,
    %dma_start3A_308 = arith.constant 0 : i32
    %dma_start3A_309 = arith.constant 6000 : i32
    %dma_start3A_310 = arith.constant 0 : i32
    %dma_start3A_311 = tpu.memref_slice %arg0[%dma_start3A_308, %dma_start3A_309, %dma_start3A_310] : memref<2x10240x136xf32, #tpu.memory_space<any>> -> memref<2x1000x136xf32, #tpu.memory_space<any>>
    tpu.enqueue_dma source(%dma_start3A_311 : memref<2x1000x136xf32, #tpu.memory_space<any>>) target(%arg4 : memref<2x1000x136xf32, #tpu.memory_space<vmem>>) target_semaphore(%arg9 : memref<!tpu.dma_semaphore, #tpu.memory_space<semaphore_mem>>)
    %dma_wait3A_312 = arith.constant 0 : i32
    %dma_wait3A_313 = arith.constant 5000 : i32
    %dma_wait3A_314 = arith.constant 0 : i32
    %dma_wait3A_315 = tpu.memref_slice %arg0[%dma_wait3A_312, %dma_wait3A_313, %dma_wait3A_314] : memref<2x10240x136xf32, #tpu.memory_space<any>> -> memref<2x1000x136xf32, #tpu.memory_space<any>>
    tpu.wait_dma2 semaphore(%arg10 : memref<!tpu.dma_semaphore, #tpu.memory_space<semaphore_mem>>) src(%dma_wait3A_315 : memref<2x1000x136xf32, #tpu.memory_space<any>>) dst(%arg5 : memref<2x1000x136xf32, #tpu.memory_space<vmem>>)
    %get3A_316 = arith.constant 0 : index
    %get3A_317 = arith.constant 0 : index
    %get3A_318 = arith.constant 0 : index
    %get3A_319 = vector.load %arg5[%get3A_316, %get3A_317, %get3A_318] : memref<2x1000x136xf32, #tpu.memory_space<vmem>>, vector<1x1000x136xf32>
    %get3A_320 = vector.shape_cast %get3A_319 : vector<1x1000x136xf32> to vector<1000x136xf32>
    %get3A_321 = arith.constant 1 : index
    %get3A_322 = arith.constant 0 : index
    %get3A_323 = arith.constant 0 : index
    %get3A_324 = vector.load %arg5[%get3A_321, %get3A_322, %get3A_323] : memref<2x1000x136xf32, #tpu.memory_space<vmem>>, vector<1x1000x136xf32>
    %get3A_325 = vector.shape_cast %get3A_324 : vector<1x1000x136xf32> to vector<1000x136xf32>
    %add3A_326 = arith.addf %get3A_320, %get3A_325 : vector<1000x136xf32>
    %slice3A_327 = vector.extract_strided_slice %add3A_326 {offsets = [0, 0], sizes = [1000, 130], strides = [1, 1]} : vector<1000x136xf32> to vector<1000x130xf32>
    %get3A_328 = arith.constant 0 : index
    %get3A_329 = arith.constant 0 : index
    %get3A_330 = vector.load %arg1[%get3A_328, %get3A_329] : memref<130x256xf32, #tpu.memory_space<vmem>>, vector<130x256xf32>
    %dot_general3A_331 = arith.constant dense<0.000000e+00> : vector<1000x256xf32>
    %dot_general3A_332 = tpu.matmul %slice3A_327, %get3A_330, %dot_general3A_331 {dimension_numbers = #tpu.dot_dimension_numbers<[1], [0], [0], [1], [0, 0, 1, 1], [], []>, transpose_lhs_hint = false} : vector<1000x130xf32>, vector<130x256xf32>, vector<1000x256xf32> -> vector<1000x256xf32>
    %max3A_333 = arith.constant 0.000000e+00 : f32
    %max3A_334 = vector.broadcast %max3A_333 : f32 to vector<1000x256xf32>
    %max3A_335 = arith.maximumf %dot_general3A_332, %max3A_334 : vector<1000x256xf32>
    %swap3A_336 = arith.constant 5000 : index
    %swap3A_337 = arith.constant 0 : index
    %swap3A_338 = vector.load %arg6[%swap3A_336, %swap3A_337] : memref<10000x256xf32, #tpu.memory_space<vmem>>, vector<1000x256xf32>
    tpu.vector_store %arg6[%swap3A_336, %swap3A_337], %max3A_335 {strides = array<i32>} : memref<10000x256xf32, #tpu.memory_space<vmem>>, vector<1000x256xf32>,
    %ne3A_339 = arith.constant 0.000000e+00 : f32
    %ne3A_340 = vector.broadcast %ne3A_339 : f32 to vector<1000x256xf32>
    %ne3A_341 = arith.cmpf one, %max3A_335, %ne3A_340 : vector<1000x256xf32>
    %convert_element_type3A_342 = arith.extui %ne3A_341 : vector<1000x256xi1> to vector<1000x256xi32>
    %convert_element_type3A_343 = arith.sitofp %convert_element_type3A_342 : vector<1000x256xi32> to vector<1000x256xf32>
    %reduce_sum3A_344 = arith.constant dense<0.000000e+00> : vector<1000xf32>
    %reduce_sum3A_345 = vector.multi_reduction <add>, %convert_element_type3A_343, %reduce_sum3A_344 [1] : vector<1000x256xf32> to vector<1000xf32>
    %div3A_346 = arith.constant 2.560000e+02 : f32
    %div3A_347 = vector.broadcast %div3A_346 : f32 to vector<1000xf32>
    %div3A_348 = arith.divf %reduce_sum3A_345, %div3A_347 : vector<1000xf32>
    %sub3A_349 = arith.constant 1.000000e+00 : f32
    %sub3A_350 = vector.broadcast %sub3A_349 : f32 to vector<1000xf32>
    %sub3A_351 = arith.subf %sub3A_350, %div3A_348 : vector<1000xf32>
    %swap3A_352 = arith.constant 5 : index
    %swap3A_353 = arith.constant 0 : index
    %swap3A_354 = vector.load %arg7[%swap3A_352, %swap3A_353] : memref<10x1000xf32, #tpu.memory_space<vmem>>, vector<1x1000xf32>
    %swap3A_355 = vector.shape_cast %swap3A_354 : vector<1x1000xf32> to vector<1000xf32>
    %swap3A_356 = vector.shape_cast %sub3A_351 : vector<1000xf32> to vector<1x1000xf32>
    tpu.vector_store %arg7[%swap3A_352, %swap3A_353], %swap3A_356 {strides = array<i32>} : memref<10x1000xf32, #tpu.memory_space<vmem>>, vector<1x1000xf32>,
    %add3A_357 = arith.constant 1.000000e-15 : f32
    %add3A_358 = vector.broadcast %add3A_357 : f32 to vector<1000x256xf32>
    %add3A_359 = arith.addf %max3A_335, %add3A_358 : vector<1000x256xf32>
    %log3A_360 = math.log %add3A_359 : vector<1000x256xf32>
    %mul3A_361 = arith.mulf %max3A_335, %log3A_360 : vector<1000x256xf32>
    %reduce_sum3A_362 = arith.constant dense<0.000000e+00> : vector<1000xf32>
    %reduce_sum3A_363 = vector.multi_reduction <add>, %mul3A_361, %reduce_sum3A_362 [1] : vector<1000x256xf32> to vector<1000xf32>
    %neg3A_364 = arith.constant 0.000000e+00 : f32
    %neg3A_365 = vector.broadcast %neg3A_364 : f32 to vector<1000xf32>
    %neg3A_366 = arith.subf %neg3A_365, %reduce_sum3A_363 : vector<1000xf32>
    %swap3A_367 = arith.constant 5 : index
    %swap3A_368 = arith.constant 0 : index
    %swap3A_369 = vector.load %arg8[%swap3A_367, %swap3A_368] : memref<10x1000xf32, #tpu.memory_space<vmem>>, vector<1x1000xf32>
    %swap3A_370 = vector.shape_cast %swap3A_369 : vector<1x1000xf32> to vector<1000xf32>
    %swap3A_371 = vector.shape_cast %neg3A_366 : vector<1000xf32> to vector<1x1000xf32>
    tpu.vector_store %arg8[%swap3A_367, %swap3A_368], %swap3A_371 {strides = array<i32>} : memref<10x1000xf32, #tpu.memory_space<vmem>>, vector<1x1000xf32>,
    %dma_start3A_372 = arith.constant 0 : i32
    %dma_start3A_373 = arith.constant 7000 : i32
    %dma_start3A_374 = arith.constant 0 : i32
    %dma_start3A_375 = tpu.memref_slice %arg0[%dma_start3A_372, %dma_start3A_373, %dma_start3A_374] : memref<2x10240x136xf32, #tpu.memory_space<any>> -> memref<2x1000x136xf32, #tpu.memory_space<any>>
    tpu.enqueue_dma source(%dma_start3A_375 : memref<2x1000x136xf32, #tpu.memory_space<any>>) target(%arg5 : memref<2x1000x136xf32, #tpu.memory_space<vmem>>) target_semaphore(%arg10 : memref<!tpu.dma_semaphore, #tpu.memory_space<semaphore_mem>>)
    %dma_wait3A_376 = arith.constant 0 : i32
    %dma_wait3A_377 = arith.constant 6000 : i32
    %dma_wait3A_378 = arith.constant 0 : i32
    %dma_wait3A_379 = tpu.memref_slice %arg0[%dma_wait3A_376, %dma_wait3A_377, %dma_wait3A_378] : memref<2x10240x136xf32, #tpu.memory_space<any>> -> memref<2x1000x136xf32, #tpu.memory_space<any>>
    tpu.wait_dma2 semaphore(%arg9 : memref<!tpu.dma_semaphore, #tpu.memory_space<semaphore_mem>>) src(%dma_wait3A_379 : memref<2x1000x136xf32, #tpu.memory_space<any>>) dst(%arg4 : memref<2x1000x136xf32, #tpu.memory_space<vmem>>)
    %get3A_380 = arith.constant 0 : index
    %get3A_381 = arith.constant 0 : index
    %get3A_382 = arith.constant 0 : index
    %get3A_383 = vector.load %arg4[%get3A_380, %get3A_381, %get3A_382] : memref<2x1000x136xf32, #tpu.memory_space<vmem>>, vector<1x1000x136xf32>
    %get3A_384 = vector.shape_cast %get3A_383 : vector<1x1000x136xf32> to vector<1000x136xf32>
    %get3A_385 = arith.constant 1 : index
    %get3A_386 = arith.constant 0 : index
    %get3A_387 = arith.constant 0 : index
    %get3A_388 = vector.load %arg4[%get3A_385, %get3A_386, %get3A_387] : memref<2x1000x136xf32, #tpu.memory_space<vmem>>, vector<1x1000x136xf32>
    %get3A_389 = vector.shape_cast %get3A_388 : vector<1x1000x136xf32> to vector<1000x136xf32>
    %add3A_390 = arith.addf %get3A_384, %get3A_389 : vector<1000x136xf32>
    %slice3A_391 = vector.extract_strided_slice %add3A_390 {offsets = [0, 0], sizes = [1000, 130], strides = [1, 1]} : vector<1000x136xf32> to vector<1000x130xf32>
    %get3A_392 = arith.constant 0 : index
    %get3A_393 = arith.constant 0 : index
    %get3A_394 = vector.load %arg1[%get3A_392, %get3A_393] : memref<130x256xf32, #tpu.memory_space<vmem>>, vector<130x256xf32>
    %dot_general3A_395 = arith.constant dense<0.000000e+00> : vector<1000x256xf32>
    %dot_general3A_396 = tpu.matmul %slice3A_391, %get3A_394, %dot_general3A_395 {dimension_numbers = #tpu.dot_dimension_numbers<[1], [0], [0], [1], [0, 0, 1, 1], [], []>, transpose_lhs_hint = false} : vector<1000x130xf32>, vector<130x256xf32>, vector<1000x256xf32> -> vector<1000x256xf32>
    %max3A_397 = arith.constant 0.000000e+00 : f32
    %max3A_398 = vector.broadcast %max3A_397 : f32 to vector<1000x256xf32>
    %max3A_399 = arith.maximumf %dot_general3A_396, %max3A_398 : vector<1000x256xf32>
    %swap3A_400 = arith.constant 6000 : index
    %swap3A_401 = arith.constant 0 : index
    %swap3A_402 = vector.load %arg6[%swap3A_400, %swap3A_401] : memref<10000x256xf32, #tpu.memory_space<vmem>>, vector<1000x256xf32>
    tpu.vector_store %arg6[%swap3A_400, %swap3A_401], %max3A_399 {strides = array<i32>} : memref<10000x256xf32, #tpu.memory_space<vmem>>, vector<1000x256xf32>,
    %ne3A_403 = arith.constant 0.000000e+00 : f32
    %ne3A_404 = vector.broadcast %ne3A_403 : f32 to vector<1000x256xf32>
    %ne3A_405 = arith.cmpf one, %max3A_399, %ne3A_404 : vector<1000x256xf32>
    %convert_element_type3A_406 = arith.extui %ne3A_405 : vector<1000x256xi1> to vector<1000x256xi32>
    %convert_element_type3A_407 = arith.sitofp %convert_element_type3A_406 : vector<1000x256xi32> to vector<1000x256xf32>
    %reduce_sum3A_408 = arith.constant dense<0.000000e+00> : vector<1000xf32>
    %reduce_sum3A_409 = vector.multi_reduction <add>, %convert_element_type3A_407, %reduce_sum3A_408 [1] : vector<1000x256xf32> to vector<1000xf32>
    %div3A_410 = arith.constant 2.560000e+02 : f32
    %div3A_411 = vector.broadcast %div3A_410 : f32 to vector<1000xf32>
    %div3A_412 = arith.divf %reduce_sum3A_409, %div3A_411 : vector<1000xf32>
    %sub3A_413 = arith.constant 1.000000e+00 : f32
    %sub3A_414 = vector.broadcast %sub3A_413 : f32 to vector<1000xf32>
    %sub3A_415 = arith.subf %sub3A_414, %div3A_412 : vector<1000xf32>
    %swap3A_416 = arith.constant 6 : index
    %swap3A_417 = arith.constant 0 : index
    %swap3A_418 = vector.load %arg7[%swap3A_416, %swap3A_417] : memref<10x1000xf32, #tpu.memory_space<vmem>>, vector<1x1000xf32>
    %swap3A_419 = vector.shape_cast %swap3A_418 : vector<1x1000xf32> to vector<1000xf32>
    %swap3A_420 = vector.shape_cast %sub3A_415 : vector<1000xf32> to vector<1x1000xf32>
    tpu.vector_store %arg7[%swap3A_416, %swap3A_417], %swap3A_420 {strides = array<i32>} : memref<10x1000xf32, #tpu.memory_space<vmem>>, vector<1x1000xf32>,
    %add3A_421 = arith.constant 1.000000e-15 : f32
    %add3A_422 = vector.broadcast %add3A_421 : f32 to vector<1000x256xf32>
    %add3A_423 = arith.addf %max3A_399, %add3A_422 : vector<1000x256xf32>
    %log3A_424 = math.log %add3A_423 : vector<1000x256xf32>
    %mul3A_425 = arith.mulf %max3A_399, %log3A_424 : vector<1000x256xf32>
    %reduce_sum3A_426 = arith.constant dense<0.000000e+00> : vector<1000xf32>
    %reduce_sum3A_427 = vector.multi_reduction <add>, %mul3A_425, %reduce_sum3A_426 [1] : vector<1000x256xf32> to vector<1000xf32>
    %neg3A_428 = arith.constant 0.000000e+00 : f32
    %neg3A_429 = vector.broadcast %neg3A_428 : f32 to vector<1000xf32>
    %neg3A_430 = arith.subf %neg3A_429, %reduce_sum3A_427 : vector<1000xf32>
    %swap3A_431 = arith.constant 6 : index
    %swap3A_432 = arith.constant 0 : index
    %swap3A_433 = vector.load %arg8[%swap3A_431, %swap3A_432] : memref<10x1000xf32, #tpu.memory_space<vmem>>, vector<1x1000xf32>
    %swap3A_434 = vector.shape_cast %swap3A_433 : vector<1x1000xf32> to vector<1000xf32>
    %swap3A_435 = vector.shape_cast %neg3A_430 : vector<1000xf32> to vector<1x1000xf32>
    tpu.vector_store %arg8[%swap3A_431, %swap3A_432], %swap3A_435 {strides = array<i32>} : memref<10x1000xf32, #tpu.memory_space<vmem>>, vector<1x1000xf32>,
    %dma_start3A_436 = arith.constant 0 : i32
    %dma_start3A_437 = arith.constant 8000 : i32
    %dma_start3A_438 = arith.constant 0 : i32
    %dma_start3A_439 = tpu.memref_slice %arg0[%dma_start3A_436, %dma_start3A_437, %dma_start3A_438] : memref<2x10240x136xf32, #tpu.memory_space<any>> -> memref<2x1000x136xf32, #tpu.memory_space<any>>
    tpu.enqueue_dma source(%dma_start3A_439 : memref<2x1000x136xf32, #tpu.memory_space<any>>) target(%arg4 : memref<2x1000x136xf32, #tpu.memory_space<vmem>>) target_semaphore(%arg9 : memref<!tpu.dma_semaphore, #tpu.memory_space<semaphore_mem>>)
    %dma_wait3A_440 = arith.constant 0 : i32
    %dma_wait3A_441 = arith.constant 7000 : i32
    %dma_wait3A_442 = arith.constant 0 : i32
    %dma_wait3A_443 = tpu.memref_slice %arg0[%dma_wait3A_440, %dma_wait3A_441, %dma_wait3A_442] : memref<2x10240x136xf32, #tpu.memory_space<any>> -> memref<2x1000x136xf32, #tpu.memory_space<any>>
    tpu.wait_dma2 semaphore(%arg10 : memref<!tpu.dma_semaphore, #tpu.memory_space<semaphore_mem>>) src(%dma_wait3A_443 : memref<2x1000x136xf32, #tpu.memory_space<any>>) dst(%arg5 : memref<2x1000x136xf32, #tpu.memory_space<vmem>>)
    %get3A_444 = arith.constant 0 : index
    %get3A_445 = arith.constant 0 : index
    %get3A_446 = arith.constant 0 : index
    %get3A_447 = vector.load %arg5[%get3A_444, %get3A_445, %get3A_446] : memref<2x1000x136xf32, #tpu.memory_space<vmem>>, vector<1x1000x136xf32>
    %get3A_448 = vector.shape_cast %get3A_447 : vector<1x1000x136xf32> to vector<1000x136xf32>
    %get3A_449 = arith.constant 1 : index
    %get3A_450 = arith.constant 0 : index
    %get3A_451 = arith.constant 0 : index
    %get3A_452 = vector.load %arg5[%get3A_449, %get3A_450, %get3A_451] : memref<2x1000x136xf32, #tpu.memory_space<vmem>>, vector<1x1000x136xf32>
    %get3A_453 = vector.shape_cast %get3A_452 : vector<1x1000x136xf32> to vector<1000x136xf32>
    %add3A_454 = arith.addf %get3A_448, %get3A_453 : vector<1000x136xf32>
    %slice3A_455 = vector.extract_strided_slice %add3A_454 {offsets = [0, 0], sizes = [1000, 130], strides = [1, 1]} : vector<1000x136xf32> to vector<1000x130xf32>
    %get3A_456 = arith.constant 0 : index
    %get3A_457 = arith.constant 0 : index
    %get3A_458 = vector.load %arg1[%get3A_456, %get3A_457] : memref<130x256xf32, #tpu.memory_space<vmem>>, vector<130x256xf32>
    %dot_general3A_459 = arith.constant dense<0.000000e+00> : vector<1000x256xf32>
    %dot_general3A_460 = tpu.matmul %slice3A_455, %get3A_458, %dot_general3A_459 {dimension_numbers = #tpu.dot_dimension_numbers<[1], [0], [0], [1], [0, 0, 1, 1], [], []>, transpose_lhs_hint = false} : vector<1000x130xf32>, vector<130x256xf32>, vector<1000x256xf32> -> vector<1000x256xf32>
    %max3A_461 = arith.constant 0.000000e+00 : f32
    %max3A_462 = vector.broadcast %max3A_461 : f32 to vector<1000x256xf32>
    %max3A_463 = arith.maximumf %dot_general3A_460, %max3A_462 : vector<1000x256xf32>
    %swap3A_464 = arith.constant 7000 : index
    %swap3A_465 = arith.constant 0 : index
    %swap3A_466 = vector.load %arg6[%swap3A_464, %swap3A_465] : memref<10000x256xf32, #tpu.memory_space<vmem>>, vector<1000x256xf32>
    tpu.vector_store %arg6[%swap3A_464, %swap3A_465], %max3A_463 {strides = array<i32>} : memref<10000x256xf32, #tpu.memory_space<vmem>>, vector<1000x256xf32>,
    %ne3A_467 = arith.constant 0.000000e+00 : f32
    %ne3A_468 = vector.broadcast %ne3A_467 : f32 to vector<1000x256xf32>
    %ne3A_469 = arith.cmpf one, %max3A_463, %ne3A_468 : vector<1000x256xf32>
    %convert_element_type3A_470 = arith.extui %ne3A_469 : vector<1000x256xi1> to vector<1000x256xi32>
    %convert_element_type3A_471 = arith.sitofp %convert_element_type3A_470 : vector<1000x256xi32> to vector<1000x256xf32>
    %reduce_sum3A_472 = arith.constant dense<0.000000e+00> : vector<1000xf32>
    %reduce_sum3A_473 = vector.multi_reduction <add>, %convert_element_type3A_471, %reduce_sum3A_472 [1] : vector<1000x256xf32> to vector<1000xf32>
    %div3A_474 = arith.constant 2.560000e+02 : f32
    %div3A_475 = vector.broadcast %div3A_474 : f32 to vector<1000xf32>
    %div3A_476 = arith.divf %reduce_sum3A_473, %div3A_475 : vector<1000xf32>
    %sub3A_477 = arith.constant 1.000000e+00 : f32
    %sub3A_478 = vector.broadcast %sub3A_477 : f32 to vector<1000xf32>
    %sub3A_479 = arith.subf %sub3A_478, %div3A_476 : vector<1000xf32>
    %swap3A_480 = arith.constant 7 : index
    %swap3A_481 = arith.constant 0 : index
    %swap3A_482 = vector.load %arg7[%swap3A_480, %swap3A_481] : memref<10x1000xf32, #tpu.memory_space<vmem>>, vector<1x1000xf32>
    %swap3A_483 = vector.shape_cast %swap3A_482 : vector<1x1000xf32> to vector<1000xf32>
    %swap3A_484 = vector.shape_cast %sub3A_479 : vector<1000xf32> to vector<1x1000xf32>
    tpu.vector_store %arg7[%swap3A_480, %swap3A_481], %swap3A_484 {strides = array<i32>} : memref<10x1000xf32, #tpu.memory_space<vmem>>, vector<1x1000xf32>,
    %add3A_485 = arith.constant 1.000000e-15 : f32
    %add3A_486 = vector.broadcast %add3A_485 : f32 to vector<1000x256xf32>
    %add3A_487 = arith.addf %max3A_463, %add3A_486 : vector<1000x256xf32>
    %log3A_488 = math.log %add3A_487 : vector<1000x256xf32>
    %mul3A_489 = arith.mulf %max3A_463, %log3A_488 : vector<1000x256xf32>
    %reduce_sum3A_490 = arith.constant dense<0.000000e+00> : vector<1000xf32>
    %reduce_sum3A_491 = vector.multi_reduction <add>, %mul3A_489, %reduce_sum3A_490 [1] : vector<1000x256xf32> to vector<1000xf32>
    %neg3A_492 = arith.constant 0.000000e+00 : f32
    %neg3A_493 = vector.broadcast %neg3A_492 : f32 to vector<1000xf32>
    %neg3A_494 = arith.subf %neg3A_493, %reduce_sum3A_491 : vector<1000xf32>
    %swap3A_495 = arith.constant 7 : index
    %swap3A_496 = arith.constant 0 : index
    %swap3A_497 = vector.load %arg8[%swap3A_495, %swap3A_496] : memref<10x1000xf32, #tpu.memory_space<vmem>>, vector<1x1000xf32>
    %swap3A_498 = vector.shape_cast %swap3A_497 : vector<1x1000xf32> to vector<1000xf32>
    %swap3A_499 = vector.shape_cast %neg3A_494 : vector<1000xf32> to vector<1x1000xf32>
    tpu.vector_store %arg8[%swap3A_495, %swap3A_496], %swap3A_499 {strides = array<i32>} : memref<10x1000xf32, #tpu.memory_space<vmem>>, vector<1x1000xf32>,
    %dma_start3A_500 = arith.constant 0 : i32
    %dma_start3A_501 = arith.constant 9000 : i32
    %dma_start3A_502 = arith.constant 0 : i32
    %dma_start3A_503 = tpu.memref_slice %arg0[%dma_start3A_500, %dma_start3A_501, %dma_start3A_502] : memref<2x10240x136xf32, #tpu.memory_space<any>> -> memref<2x1000x136xf32, #tpu.memory_space<any>>
    tpu.enqueue_dma source(%dma_start3A_503 : memref<2x1000x136xf32, #tpu.memory_space<any>>) target(%arg5 : memref<2x1000x136xf32, #tpu.memory_space<vmem>>) target_semaphore(%arg10 : memref<!tpu.dma_semaphore, #tpu.memory_space<semaphore_mem>>)
    %dma_wait3A_504 = arith.constant 0 : i32
    %dma_wait3A_505 = arith.constant 8000 : i32
    %dma_wait3A_506 = arith.constant 0 : i32
    %dma_wait3A_507 = tpu.memref_slice %arg0[%dma_wait3A_504, %dma_wait3A_505, %dma_wait3A_506] : memref<2x10240x136xf32, #tpu.memory_space<any>> -> memref<2x1000x136xf32, #tpu.memory_space<any>>
    tpu.wait_dma2 semaphore(%arg9 : memref<!tpu.dma_semaphore, #tpu.memory_space<semaphore_mem>>) src(%dma_wait3A_507 : memref<2x1000x136xf32, #tpu.memory_space<any>>) dst(%arg4 : memref<2x1000x136xf32, #tpu.memory_space<vmem>>)
    %get3A_508 = arith.constant 0 : index
    %get3A_509 = arith.constant 0 : index
    %get3A_510 = arith.constant 0 : index
    %get3A_511 = vector.load %arg4[%get3A_508, %get3A_509, %get3A_510] : memref<2x1000x136xf32, #tpu.memory_space<vmem>>, vector<1x1000x136xf32>
    %get3A_512 = vector.shape_cast %get3A_511 : vector<1x1000x136xf32> to vector<1000x136xf32>
    %get3A_513 = arith.constant 1 : index
    %get3A_514 = arith.constant 0 : index
    %get3A_515 = arith.constant 0 : index
    %get3A_516 = vector.load %arg4[%get3A_513, %get3A_514, %get3A_515] : memref<2x1000x136xf32, #tpu.memory_space<vmem>>, vector<1x1000x136xf32>
    %get3A_517 = vector.shape_cast %get3A_516 : vector<1x1000x136xf32> to vector<1000x136xf32>
    %add3A_518 = arith.addf %get3A_512, %get3A_517 : vector<1000x136xf32>
    %slice3A_519 = vector.extract_strided_slice %add3A_518 {offsets = [0, 0], sizes = [1000, 130], strides = [1, 1]} : vector<1000x136xf32> to vector<1000x130xf32>
    %get3A_520 = arith.constant 0 : index
    %get3A_521 = arith.constant 0 : index
    %get3A_522 = vector.load %arg1[%get3A_520, %get3A_521] : memref<130x256xf32, #tpu.memory_space<vmem>>, vector<130x256xf32>
    %dot_general3A_523 = arith.constant dense<0.000000e+00> : vector<1000x256xf32>
    %dot_general3A_524 = tpu.matmul %slice3A_519, %get3A_522, %dot_general3A_523 {dimension_numbers = #tpu.dot_dimension_numbers<[1], [0], [0], [1], [0, 0, 1, 1], [], []>, transpose_lhs_hint = false} : vector<1000x130xf32>, vector<130x256xf32>, vector<1000x256xf32> -> vector<1000x256xf32>
    %max3A_525 = arith.constant 0.000000e+00 : f32
    %max3A_526 = vector.broadcast %max3A_525 : f32 to vector<1000x256xf32>
    %max3A_527 = arith.maximumf %dot_general3A_524, %max3A_526 : vector<1000x256xf32>
    %swap3A_528 = arith.constant 8000 : index
    %swap3A_529 = arith.constant 0 : index
    %swap3A_530 = vector.load %arg6[%swap3A_528, %swap3A_529] : memref<10000x256xf32, #tpu.memory_space<vmem>>, vector<1000x256xf32>
    tpu.vector_store %arg6[%swap3A_528, %swap3A_529], %max3A_527 {strides = array<i32>} : memref<10000x256xf32, #tpu.memory_space<vmem>>, vector<1000x256xf32>,
    %ne3A_531 = arith.constant 0.000000e+00 : f32
    %ne3A_532 = vector.broadcast %ne3A_531 : f32 to vector<1000x256xf32>
    %ne3A_533 = arith.cmpf one, %max3A_527, %ne3A_532 : vector<1000x256xf32>
    %convert_element_type3A_534 = arith.extui %ne3A_533 : vector<1000x256xi1> to vector<1000x256xi32>
    %convert_element_type3A_535 = arith.sitofp %convert_element_type3A_534 : vector<1000x256xi32> to vector<1000x256xf32>
    %reduce_sum3A_536 = arith.constant dense<0.000000e+00> : vector<1000xf32>
    %reduce_sum3A_537 = vector.multi_reduction <add>, %convert_element_type3A_535, %reduce_sum3A_536 [1] : vector<1000x256xf32> to vector<1000xf32>
    %div3A_538 = arith.constant 2.560000e+02 : f32
    %div3A_539 = vector.broadcast %div3A_538 : f32 to vector<1000xf32>
    %div3A_540 = arith.divf %reduce_sum3A_537, %div3A_539 : vector<1000xf32>
    %sub3A_541 = arith.constant 1.000000e+00 : f32
    %sub3A_542 = vector.broadcast %sub3A_541 : f32 to vector<1000xf32>
    %sub3A_543 = arith.subf %sub3A_542, %div3A_540 : vector<1000xf32>
    %swap3A_544 = arith.constant 8 : index
    %swap3A_545 = arith.constant 0 : index
    %swap3A_546 = vector.load %arg7[%swap3A_544, %swap3A_545] : memref<10x1000xf32, #tpu.memory_space<vmem>>, vector<1x1000xf32>
    %swap3A_547 = vector.shape_cast %swap3A_546 : vector<1x1000xf32> to vector<1000xf32>
    %swap3A_548 = vector.shape_cast %sub3A_543 : vector<1000xf32> to vector<1x1000xf32>
    tpu.vector_store %arg7[%swap3A_544, %swap3A_545], %swap3A_548 {strides = array<i32>} : memref<10x1000xf32, #tpu.memory_space<vmem>>, vector<1x1000xf32>,
    %add3A_549 = arith.constant 1.000000e-15 : f32
    %add3A_550 = vector.broadcast %add3A_549 : f32 to vector<1000x256xf32>
    %add3A_551 = arith.addf %max3A_527, %add3A_550 : vector<1000x256xf32>
    %log3A_552 = math.log %add3A_551 : vector<1000x256xf32>
    %mul3A_553 = arith.mulf %max3A_527, %log3A_552 : vector<1000x256xf32>
    %reduce_sum3A_554 = arith.constant dense<0.000000e+00> : vector<1000xf32>
    %reduce_sum3A_555 = vector.multi_reduction <add>, %mul3A_553, %reduce_sum3A_554 [1] : vector<1000x256xf32> to vector<1000xf32>
    %neg3A_556 = arith.constant 0.000000e+00 : f32
    %neg3A_557 = vector.broadcast %neg3A_556 : f32 to vector<1000xf32>
    %neg3A_558 = arith.subf %neg3A_557, %reduce_sum3A_555 : vector<1000xf32>
    %swap3A_559 = arith.constant 8 : index
    %swap3A_560 = arith.constant 0 : index
    %swap3A_561 = vector.load %arg8[%swap3A_559, %swap3A_560] : memref<10x1000xf32, #tpu.memory_space<vmem>>, vector<1x1000xf32>
    %swap3A_562 = vector.shape_cast %swap3A_561 : vector<1x1000xf32> to vector<1000xf32>
    %swap3A_563 = vector.shape_cast %neg3A_558 : vector<1000xf32> to vector<1x1000xf32>
    tpu.vector_store %arg8[%swap3A_559, %swap3A_560], %swap3A_563 {strides = array<i32>} : memref<10x1000xf32, #tpu.memory_space<vmem>>, vector<1x1000xf32>,
    %dma_wait3A_564 = arith.constant 0 : i32
    %dma_wait3A_565 = arith.constant 9000 : i32
    %dma_wait3A_566 = arith.constant 0 : i32
    %dma_wait3A_567 = tpu.memref_slice %arg0[%dma_wait3A_564, %dma_wait3A_565, %dma_wait3A_566] : memref<2x10240x136xf32, #tpu.memory_space<any>> -> memref<2x1000x136xf32, #tpu.memory_space<any>>
    tpu.wait_dma2 semaphore(%arg10 : memref<!tpu.dma_semaphore, #tpu.memory_space<semaphore_mem>>) src(%dma_wait3A_567 : memref<2x1000x136xf32, #tpu.memory_space<any>>) dst(%arg5 : memref<2x1000x136xf32, #tpu.memory_space<vmem>>)
    %get3A_568 = arith.constant 0 : index
    %get3A_569 = arith.constant 0 : index
    %get3A_570 = arith.constant 0 : index
    %get3A_571 = vector.load %arg5[%get3A_568, %get3A_569, %get3A_570] : memref<2x1000x136xf32, #tpu.memory_space<vmem>>, vector<1x1000x136xf32>
    %get3A_572 = vector.shape_cast %get3A_571 : vector<1x1000x136xf32> to vector<1000x136xf32>
    %get3A_573 = arith.constant 1 : index
    %get3A_574 = arith.constant 0 : index
    %get3A_575 = arith.constant 0 : index
    %get3A_576 = vector.load %arg5[%get3A_573, %get3A_574, %get3A_575] : memref<2x1000x136xf32, #tpu.memory_space<vmem>>, vector<1x1000x136xf32>
    %get3A_577 = vector.shape_cast %get3A_576 : vector<1x1000x136xf32> to vector<1000x136xf32>
    %add3A_578 = arith.addf %get3A_572, %get3A_577 : vector<1000x136xf32>
    %slice3A_579 = vector.extract_strided_slice %add3A_578 {offsets = [0, 0], sizes = [1000, 130], strides = [1, 1]} : vector<1000x136xf32> to vector<1000x130xf32>
    %get3A_580 = arith.constant 0 : index
    %get3A_581 = arith.constant 0 : index
    %get3A_582 = vector.load %arg1[%get3A_580, %get3A_581] : memref<130x256xf32, #tpu.memory_space<vmem>>, vector<130x256xf32>
    %dot_general3A_583 = arith.constant dense<0.000000e+00> : vector<1000x256xf32>
    %dot_general3A_584 = tpu.matmul %slice3A_579, %get3A_582, %dot_general3A_583 {dimension_numbers = #tpu.dot_dimension_numbers<[1], [0], [0], [1], [0, 0, 1, 1], [], []>, transpose_lhs_hint = false} : vector<1000x130xf32>, vector<130x256xf32>, vector<1000x256xf32> -> vector<1000x256xf32>
    %max3A_585 = arith.constant 0.000000e+00 : f32
    %max3A_586 = vector.broadcast %max3A_585 : f32 to vector<1000x256xf32>
    %max3A_587 = arith.maximumf %dot_general3A_584, %max3A_586 : vector<1000x256xf32>
    %swap3A_588 = arith.constant 9000 : index
    %swap3A_589 = arith.constant 0 : index
    %swap3A_590 = vector.load %arg6[%swap3A_588, %swap3A_589] : memref<10000x256xf32, #tpu.memory_space<vmem>>, vector<1000x256xf32>
    tpu.vector_store %arg6[%swap3A_588, %swap3A_589], %max3A_587 {strides = array<i32>} : memref<10000x256xf32, #tpu.memory_space<vmem>>, vector<1000x256xf32>,
    %ne3A_591 = arith.constant 0.000000e+00 : f32
    %ne3A_592 = vector.broadcast %ne3A_591 : f32 to vector<1000x256xf32>
    %ne3A_593 = arith.cmpf one, %max3A_587, %ne3A_592 : vector<1000x256xf32>
    %convert_element_type3A_594 = arith.extui %ne3A_593 : vector<1000x256xi1> to vector<1000x256xi32>
    %convert_element_type3A_595 = arith.sitofp %convert_element_type3A_594 : vector<1000x256xi32> to vector<1000x256xf32>
    %reduce_sum3A_596 = arith.constant dense<0.000000e+00> : vector<1000xf32>
    %reduce_sum3A_597 = vector.multi_reduction <add>, %convert_element_type3A_595, %reduce_sum3A_596 [1] : vector<1000x256xf32> to vector<1000xf32>
    %div3A_598 = arith.constant 2.560000e+02 : f32
    %div3A_599 = vector.broadcast %div3A_598 : f32 to vector<1000xf32>
    %div3A_600 = arith.divf %reduce_sum3A_597, %div3A_599 : vector<1000xf32>
    %sub3A_601 = arith.constant 1.000000e+00 : f32
    %sub3A_602 = vector.broadcast %sub3A_601 : f32 to vector<1000xf32>
    %sub3A_603 = arith.subf %sub3A_602, %div3A_600 : vector<1000xf32>
    %swap3A_604 = arith.constant 9 : index
    %swap3A_605 = arith.constant 0 : index
    %swap3A_606 = vector.load %arg7[%swap3A_604, %swap3A_605] : memref<10x1000xf32, #tpu.memory_space<vmem>>, vector<1x1000xf32>
    %swap3A_607 = vector.shape_cast %swap3A_606 : vector<1x1000xf32> to vector<1000xf32>
    %swap3A_608 = vector.shape_cast %sub3A_603 : vector<1000xf32> to vector<1x1000xf32>
    tpu.vector_store %arg7[%swap3A_604, %swap3A_605], %swap3A_608 {strides = array<i32>} : memref<10x1000xf32, #tpu.memory_space<vmem>>, vector<1x1000xf32>,
    %add3A_609 = arith.constant 1.000000e-15 : f32
    %add3A_610 = vector.broadcast %add3A_609 : f32 to vector<1000x256xf32>
    %add3A_611 = arith.addf %max3A_587, %add3A_610 : vector<1000x256xf32>
    %log3A_612 = math.log %add3A_611 : vector<1000x256xf32>
    %mul3A_613 = arith.mulf %max3A_587, %log3A_612 : vector<1000x256xf32>
    %reduce_sum3A_614 = arith.constant dense<0.000000e+00> : vector<1000xf32>
    %reduce_sum3A_615 = vector.multi_reduction <add>, %mul3A_613, %reduce_sum3A_614 [1] : vector<1000x256xf32> to vector<1000xf32>
    %neg3A_616 = arith.constant 0.000000e+00 : f32
    %neg3A_617 = vector.broadcast %neg3A_616 : f32 to vector<1000xf32>
    %neg3A_618 = arith.subf %neg3A_617, %reduce_sum3A_615 : vector<1000xf32>
    %swap3A_619 = arith.constant 9 : index
    %swap3A_620 = arith.constant 0 : index
    %swap3A_621 = vector.load %arg8[%swap3A_619, %swap3A_620] : memref<10x1000xf32, #tpu.memory_space<vmem>>, vector<1x1000xf32>
    %swap3A_622 = vector.shape_cast %swap3A_621 : vector<1x1000xf32> to vector<1000xf32>
    %swap3A_623 = vector.shape_cast %neg3A_618 : vector<1000xf32> to vector<1x1000xf32>
    tpu.vector_store %arg8[%swap3A_619, %swap3A_620], %swap3A_623 {strides = array<i32>} : memref<10x1000xf32, #tpu.memory_space<vmem>>, vector<1x1000xf32>,
    %get3A_624 = arith.constant 0 : index
    %get3A_625 = arith.constant 0 : index
    %get3A_626 = vector.load %arg7[%get3A_624, %get3A_625] : memref<10x1000xf32, #tpu.memory_space<vmem>>, vector<10x1000xf32>
    %reduce_min3A = vector.shape_cast %get3A_626 : vector<10x1000xf32> to vector<1x10x1000xf32>
    %reduce_min3A_627 = arith.constant dense<0x7F800000> : vector<1xf32>
    %reduce_min3A_628 = vector.multi_reduction <minimumf>, %reduce_min3A, %reduce_min3A_627 [1, 2] : vector<1x10x1000xf32> to vector<1xf32>
    %reduce_min3A_629 = vector.shape_cast %reduce_min3A_628 : vector<1xf32> to vector<1x1x1xf32>
    %reduce_min3A_630 = vector.extract %reduce_min3A_629[0, 0, 0] : f32 from vector<1x1x1xf32>
    %get3A_631 = arith.constant 0 : index
    %get3A_632 = arith.constant 0 : index
    %get3A_633 = vector.load %arg7[%get3A_631, %get3A_632] : memref<10x1000xf32, #tpu.memory_space<vmem>>, vector<10x1000xf32>
    %reduce_max3A = vector.shape_cast %get3A_633 : vector<10x1000xf32> to vector<1x10x1000xf32>
    %reduce_max3A_634 = arith.constant dense<0xFF800000> : vector<1xf32>
    %reduce_max3A_635 = vector.multi_reduction <maximumf>, %reduce_max3A, %reduce_max3A_634 [1, 2] : vector<1x10x1000xf32> to vector<1xf32>
    %reduce_max3A_636 = vector.shape_cast %reduce_max3A_635 : vector<1xf32> to vector<1x1x1xf32>
    %reduce_max3A_637 = vector.extract %reduce_max3A_636[0, 0, 0] : f32 from vector<1x1x1xf32>
    %get3A_638 = arith.constant 0 : index
    %get3A_639 = arith.constant 0 : index
    %get3A_640 = vector.load %arg8[%get3A_638, %get3A_639] : memref<10x1000xf32, #tpu.memory_space<vmem>>, vector<10x1000xf32>
    %reduce_min3A_641 = vector.shape_cast %get3A_640 : vector<10x1000xf32> to vector<1x10x1000xf32>
    %reduce_min3A_642 = arith.constant dense<0x7F800000> : vector<1xf32>
    %reduce_min3A_643 = vector.multi_reduction <minimumf>, %reduce_min3A_641, %reduce_min3A_642 [1, 2] : vector<1x10x1000xf32> to vector<1xf32>
    %reduce_min3A_644 = vector.shape_cast %reduce_min3A_643 : vector<1xf32> to vector<1x1x1xf32>
    %reduce_min3A_645 = vector.extract %reduce_min3A_644[0, 0, 0] : f32 from vector<1x1x1xf32>
    %get3A_646 = arith.constant 0 : index
    %get3A_647 = arith.constant 0 : index
    %get3A_648 = vector.load %arg8[%get3A_646, %get3A_647] : memref<10x1000xf32, #tpu.memory_space<vmem>>, vector<10x1000xf32>
    %reduce_max3A_649 = vector.shape_cast %get3A_648 : vector<10x1000xf32> to vector<1x10x1000xf32>
    %reduce_max3A_650 = arith.constant dense<0xFF800000> : vector<1xf32>
    %reduce_max3A_651 = vector.multi_reduction <maximumf>, %reduce_max3A_649, %reduce_max3A_650 [1, 2] : vector<1x10x1000xf32> to vector<1xf32>
    %reduce_max3A_652 = vector.shape_cast %reduce_max3A_651 : vector<1xf32> to vector<1x1x1xf32>
    %reduce_max3A_653 = vector.extract %reduce_max3A_652[0, 0, 0] : f32 from vector<1x1x1xf32>
    %get3A_654 = arith.constant 0 : index
    %get3A_655 = arith.constant 0 : index
    %get3A_656 = vector.load %arg7[%get3A_654, %get3A_655] : memref<10x1000xf32, #tpu.memory_space<vmem>>, vector<1x1000xf32>
    %get3A_657 = vector.shape_cast %get3A_656 : vector<1x1000xf32> to vector<1000xf32>
    %sub3A_658 = vector.broadcast %reduce_min3A_630 : f32 to vector<1000xf32>
    %sub3A_659 = arith.subf %get3A_657, %sub3A_658 : vector<1000xf32>
    %sub3A_660 = arith.subf %reduce_max3A_637, %reduce_min3A_630 : f32
    %div3A_661 = vector.broadcast %sub3A_660 : f32 to vector<1000xf32>
    %div3A_662 = arith.divf %sub3A_659, %div3A_661 : vector<1000xf32>
    %get3A_663 = arith.constant 0 : index
    %get3A_664 = arith.constant 0 : index
    %get3A_665 = vector.load %arg8[%get3A_663, %get3A_664] : memref<10x1000xf32, #tpu.memory_space<vmem>>, vector<1x1000xf32>
    %get3A_666 = vector.shape_cast %get3A_665 : vector<1x1000xf32> to vector<1000xf32>
    %sub3A_667 = vector.broadcast %reduce_min3A_645 : f32 to vector<1000xf32>
    %sub3A_668 = arith.subf %get3A_666, %sub3A_667 : vector<1000xf32>
    %sub3A_669 = arith.subf %reduce_max3A_653, %reduce_min3A_645 : f32
    %div3A_670 = vector.broadcast %sub3A_669 : f32 to vector<1000xf32>
    %div3A_671 = arith.divf %sub3A_668, %div3A_670 : vector<1000xf32>
    %get3A_672 = arith.constant 0 : index
    %get3A_673 = arith.constant 0 : index
    %get3A_674 = vector.load %arg6[%get3A_672, %get3A_673] : memref<10000x256xf32, #tpu.memory_space<vmem>>, vector<1000x256xf32>
    %get3A_675 = arith.constant 0 : index
    %get3A_676 = arith.constant 0 : index
    %get3A_677 = vector.load %arg2[%get3A_675, %get3A_676] : memref<258x64xf32, #tpu.memory_space<vmem>>, vector<256x64xf32>
    %dot_general3A_678 = arith.constant dense<0.000000e+00> : vector<1000x64xf32>
    %dot_general3A_679 = tpu.matmul %get3A_674, %get3A_677, %dot_general3A_678 {dimension_numbers = #tpu.dot_dimension_numbers<[1], [0], [0], [1], [0, 0, 1, 1], [], []>, transpose_lhs_hint = false} : vector<1000x256xf32>, vector<256x64xf32>, vector<1000x64xf32> -> vector<1000x64xf32>
    %broadcast_in_dim3A = vector.shape_cast %div3A_662 : vector<1000xf32> to vector<1000x1xf32>
    %get3A_680 = arith.constant 256 : index
    %get3A_681 = arith.constant 0 : index
    %get3A_682 = vector.load %arg2[%get3A_680, %get3A_681] : memref<258x64xf32, #tpu.memory_space<vmem>>, vector<1x64xf32>
    %get3A_683 = vector.shape_cast %get3A_682 : vector<1x64xf32> to vector<64xf32>
    %broadcast_in_dim3A_684 = vector.shape_cast %get3A_683 : vector<64xf32> to vector<1x64xf32>
    %mul3A_685 = vector.broadcast %broadcast_in_dim3A : vector<1000x1xf32> to vector<1000x64xf32>
    %mul3A_686 = vector.broadcast %broadcast_in_dim3A_684 : vector<1x64xf32> to vector<1000x64xf32>
    %mul3A_687 = arith.mulf %mul3A_685, %mul3A_686 : vector<1000x64xf32>
    %add3A_688 = arith.addf %dot_general3A_679, %mul3A_687 : vector<1000x64xf32>
    %broadcast_in_dim3A_689 = vector.shape_cast %div3A_671 : vector<1000xf32> to vector<1000x1xf32>
    %get3A_690 = arith.constant 257 : index
    %get3A_691 = arith.constant 0 : index
    %get3A_692 = vector.load %arg2[%get3A_690, %get3A_691] : memref<258x64xf32, #tpu.memory_space<vmem>>, vector<1x64xf32>
    %get3A_693 = vector.shape_cast %get3A_692 : vector<1x64xf32> to vector<64xf32>
    %broadcast_in_dim3A_694 = vector.shape_cast %get3A_693 : vector<64xf32> to vector<1x64xf32>
    %mul3A_695 = vector.broadcast %broadcast_in_dim3A_689 : vector<1000x1xf32> to vector<1000x64xf32>
    %mul3A_696 = vector.broadcast %broadcast_in_dim3A_694 : vector<1x64xf32> to vector<1000x64xf32>
    %mul3A_697 = arith.mulf %mul3A_695, %mul3A_696 : vector<1000x64xf32>
    %add3A_698 = arith.addf %add3A_688, %mul3A_697 : vector<1000x64xf32>
    %swap3A_699 = arith.constant 0 : index
    %swap3A_700 = arith.constant 0 : index
    %swap3A_701 = vector.load %arg3[%swap3A_699, %swap3A_700] : memref<10000x64xf32, #tpu.memory_space<vmem>>, vector<1000x64xf32>
    tpu.vector_store %arg3[%swap3A_699, %swap3A_700], %add3A_698 {strides = array<i32>} : memref<10000x64xf32, #tpu.memory_space<vmem>>, vector<1000x64xf32>,
    %get3A_702 = arith.constant 1 : index
    %get3A_703 = arith.constant 0 : index
    %get3A_704 = vector.load %arg7[%get3A_702, %get3A_703] : memref<10x1000xf32, #tpu.memory_space<vmem>>, vector<1x1000xf32>
    %get3A_705 = vector.shape_cast %get3A_704 : vector<1x1000xf32> to vector<1000xf32>
    %sub3A_706 = vector.broadcast %reduce_min3A_630 : f32 to vector<1000xf32>
    %sub3A_707 = arith.subf %get3A_705, %sub3A_706 : vector<1000xf32>
    %sub3A_708 = arith.subf %reduce_max3A_637, %reduce_min3A_630 : f32
    %div3A_709 = vector.broadcast %sub3A_708 : f32 to vector<1000xf32>
    %div3A_710 = arith.divf %sub3A_707, %div3A_709 : vector<1000xf32>
    %get3A_711 = arith.constant 1 : index
    %get3A_712 = arith.constant 0 : index
    %get3A_713 = vector.load %arg8[%get3A_711, %get3A_712] : memref<10x1000xf32, #tpu.memory_space<vmem>>, vector<1x1000xf32>
    %get3A_714 = vector.shape_cast %get3A_713 : vector<1x1000xf32> to vector<1000xf32>
    %sub3A_715 = vector.broadcast %reduce_min3A_645 : f32 to vector<1000xf32>
    %sub3A_716 = arith.subf %get3A_714, %sub3A_715 : vector<1000xf32>
    %sub3A_717 = arith.subf %reduce_max3A_653, %reduce_min3A_645 : f32
    %div3A_718 = vector.broadcast %sub3A_717 : f32 to vector<1000xf32>
    %div3A_719 = arith.divf %sub3A_716, %div3A_718 : vector<1000xf32>
    %get3A_720 = arith.constant 1000 : index
    %get3A_721 = arith.constant 0 : index
    %get3A_722 = vector.load %arg6[%get3A_720, %get3A_721] : memref<10000x256xf32, #tpu.memory_space<vmem>>, vector<1000x256xf32>
    %get3A_723 = arith.constant 0 : index
    %get3A_724 = arith.constant 0 : index
    %get3A_725 = vector.load %arg2[%get3A_723, %get3A_724] : memref<258x64xf32, #tpu.memory_space<vmem>>, vector<256x64xf32>
    %dot_general3A_726 = arith.constant dense<0.000000e+00> : vector<1000x64xf32>
    %dot_general3A_727 = tpu.matmul %get3A_722, %get3A_725, %dot_general3A_726 {dimension_numbers = #tpu.dot_dimension_numbers<[1], [0], [0], [1], [0, 0, 1, 1], [], []>, transpose_lhs_hint = false} : vector<1000x256xf32>, vector<256x64xf32>, vector<1000x64xf32> -> vector<1000x64xf32>
    %broadcast_in_dim3A_728 = vector.shape_cast %div3A_710 : vector<1000xf32> to vector<1000x1xf32>
    %get3A_729 = arith.constant 256 : index
    %get3A_730 = arith.constant 0 : index
    %get3A_731 = vector.load %arg2[%get3A_729, %get3A_730] : memref<258x64xf32, #tpu.memory_space<vmem>>, vector<1x64xf32>
    %get3A_732 = vector.shape_cast %get3A_731 : vector<1x64xf32> to vector<64xf32>
    %broadcast_in_dim3A_733 = vector.shape_cast %get3A_732 : vector<64xf32> to vector<1x64xf32>
    %mul3A_734 = vector.broadcast %broadcast_in_dim3A_728 : vector<1000x1xf32> to vector<1000x64xf32>
    %mul3A_735 = vector.broadcast %broadcast_in_dim3A_733 : vector<1x64xf32> to vector<1000x64xf32>
    %mul3A_736 = arith.mulf %mul3A_734, %mul3A_735 : vector<1000x64xf32>
    %add3A_737 = arith.addf %dot_general3A_727, %mul3A_736 : vector<1000x64xf32>
    %broadcast_in_dim3A_738 = vector.shape_cast %div3A_719 : vector<1000xf32> to vector<1000x1xf32>
    %get3A_739 = arith.constant 257 : index
    %get3A_740 = arith.constant 0 : index
    %get3A_741 = vector.load %arg2[%get3A_739, %get3A_740] : memref<258x64xf32, #tpu.memory_space<vmem>>, vector<1x64xf32>
    %get3A_742 = vector.shape_cast %get3A_741 : vector<1x64xf32> to vector<64xf32>
    %broadcast_in_dim3A_743 = vector.shape_cast %get3A_742 : vector<64xf32> to vector<1x64xf32>
    %mul3A_744 = vector.broadcast %broadcast_in_dim3A_738 : vector<1000x1xf32> to vector<1000x64xf32>
    %mul3A_745 = vector.broadcast %broadcast_in_dim3A_743 : vector<1x64xf32> to vector<1000x64xf32>
    %mul3A_746 = arith.mulf %mul3A_744, %mul3A_745 : vector<1000x64xf32>
    %add3A_747 = arith.addf %add3A_737, %mul3A_746 : vector<1000x64xf32>
    %swap3A_748 = arith.constant 1000 : index
    %swap3A_749 = arith.constant 0 : index
    %swap3A_750 = vector.load %arg3[%swap3A_748, %swap3A_749] : memref<10000x64xf32, #tpu.memory_space<vmem>>, vector<1000x64xf32>
    tpu.vector_store %arg3[%swap3A_748, %swap3A_749], %add3A_747 {strides = array<i32>} : memref<10000x64xf32, #tpu.memory_space<vmem>>, vector<1000x64xf32>,
    %get3A_751 = arith.constant 2 : index
    %get3A_752 = arith.constant 0 : index
    %get3A_753 = vector.load %arg7[%get3A_751, %get3A_752] : memref<10x1000xf32, #tpu.memory_space<vmem>>, vector<1x1000xf32>
    %get3A_754 = vector.shape_cast %get3A_753 : vector<1x1000xf32> to vector<1000xf32>
    %sub3A_755 = vector.broadcast %reduce_min3A_630 : f32 to vector<1000xf32>
    %sub3A_756 = arith.subf %get3A_754, %sub3A_755 : vector<1000xf32>
    %sub3A_757 = arith.subf %reduce_max3A_637, %reduce_min3A_630 : f32
    %div3A_758 = vector.broadcast %sub3A_757 : f32 to vector<1000xf32>
    %div3A_759 = arith.divf %sub3A_756, %div3A_758 : vector<1000xf32>
    %get3A_760 = arith.constant 2 : index
    %get3A_761 = arith.constant 0 : index
    %get3A_762 = vector.load %arg8[%get3A_760, %get3A_761] : memref<10x1000xf32, #tpu.memory_space<vmem>>, vector<1x1000xf32>
    %get3A_763 = vector.shape_cast %get3A_762 : vector<1x1000xf32> to vector<1000xf32>
    %sub3A_764 = vector.broadcast %reduce_min3A_645 : f32 to vector<1000xf32>
    %sub3A_765 = arith.subf %get3A_763, %sub3A_764 : vector<1000xf32>
    %sub3A_766 = arith.subf %reduce_max3A_653, %reduce_min3A_645 : f32
    %div3A_767 = vector.broadcast %sub3A_766 : f32 to vector<1000xf32>
    %div3A_768 = arith.divf %sub3A_765, %div3A_767 : vector<1000xf32>
    %get3A_769 = arith.constant 2000 : index
    %get3A_770 = arith.constant 0 : index
    %get3A_771 = vector.load %arg6[%get3A_769, %get3A_770] : memref<10000x256xf32, #tpu.memory_space<vmem>>, vector<1000x256xf32>
    %get3A_772 = arith.constant 0 : index
    %get3A_773 = arith.constant 0 : index
    %get3A_774 = vector.load %arg2[%get3A_772, %get3A_773] : memref<258x64xf32, #tpu.memory_space<vmem>>, vector<256x64xf32>
    %dot_general3A_775 = arith.constant dense<0.000000e+00> : vector<1000x64xf32>
    %dot_general3A_776 = tpu.matmul %get3A_771, %get3A_774, %dot_general3A_775 {dimension_numbers = #tpu.dot_dimension_numbers<[1], [0], [0], [1], [0, 0, 1, 1], [], []>, transpose_lhs_hint = false} : vector<1000x256xf32>, vector<256x64xf32>, vector<1000x64xf32> -> vector<1000x64xf32>
    %broadcast_in_dim3A_777 = vector.shape_cast %div3A_759 : vector<1000xf32> to vector<1000x1xf32>
    %get3A_778 = arith.constant 256 : index
    %get3A_779 = arith.constant 0 : index
    %get3A_780 = vector.load %arg2[%get3A_778, %get3A_779] : memref<258x64xf32, #tpu.memory_space<vmem>>, vector<1x64xf32>
    %get3A_781 = vector.shape_cast %get3A_780 : vector<1x64xf32> to vector<64xf32>
    %broadcast_in_dim3A_782 = vector.shape_cast %get3A_781 : vector<64xf32> to vector<1x64xf32>
    %mul3A_783 = vector.broadcast %broadcast_in_dim3A_777 : vector<1000x1xf32> to vector<1000x64xf32>
    %mul3A_784 = vector.broadcast %broadcast_in_dim3A_782 : vector<1x64xf32> to vector<1000x64xf32>
    %mul3A_785 = arith.mulf %mul3A_783, %mul3A_784 : vector<1000x64xf32>
    %add3A_786 = arith.addf %dot_general3A_776, %mul3A_785 : vector<1000x64xf32>
    %broadcast_in_dim3A_787 = vector.shape_cast %div3A_768 : vector<1000xf32> to vector<1000x1xf32>
    %get3A_788 = arith.constant 257 : index
    %get3A_789 = arith.constant 0 : index
    %get3A_790 = vector.load %arg2[%get3A_788, %get3A_789] : memref<258x64xf32, #tpu.memory_space<vmem>>, vector<1x64xf32>
    %get3A_791 = vector.shape_cast %get3A_790 : vector<1x64xf32> to vector<64xf32>
    %broadcast_in_dim3A_792 = vector.shape_cast %get3A_791 : vector<64xf32> to vector<1x64xf32>
    %mul3A_793 = vector.broadcast %broadcast_in_dim3A_787 : vector<1000x1xf32> to vector<1000x64xf32>
    %mul3A_794 = vector.broadcast %broadcast_in_dim3A_792 : vector<1x64xf32> to vector<1000x64xf32>
    %mul3A_795 = arith.mulf %mul3A_793, %mul3A_794 : vector<1000x64xf32>
    %add3A_796 = arith.addf %add3A_786, %mul3A_795 : vector<1000x64xf32>
    %swap3A_797 = arith.constant 2000 : index
    %swap3A_798 = arith.constant 0 : index
    %swap3A_799 = vector.load %arg3[%swap3A_797, %swap3A_798] : memref<10000x64xf32, #tpu.memory_space<vmem>>, vector<1000x64xf32>
    tpu.vector_store %arg3[%swap3A_797, %swap3A_798], %add3A_796 {strides = array<i32>} : memref<10000x64xf32, #tpu.memory_space<vmem>>, vector<1000x64xf32>,
    %get3A_800 = arith.constant 3 : index
    %get3A_801 = arith.constant 0 : index
    %get3A_802 = vector.load %arg7[%get3A_800, %get3A_801] : memref<10x1000xf32, #tpu.memory_space<vmem>>, vector<1x1000xf32>
    %get3A_803 = vector.shape_cast %get3A_802 : vector<1x1000xf32> to vector<1000xf32>
    %sub3A_804 = vector.broadcast %reduce_min3A_630 : f32 to vector<1000xf32>
    %sub3A_805 = arith.subf %get3A_803, %sub3A_804 : vector<1000xf32>
    %sub3A_806 = arith.subf %reduce_max3A_637, %reduce_min3A_630 : f32
    %div3A_807 = vector.broadcast %sub3A_806 : f32 to vector<1000xf32>
    %div3A_808 = arith.divf %sub3A_805, %div3A_807 : vector<1000xf32>
    %get3A_809 = arith.constant 3 : index
    %get3A_810 = arith.constant 0 : index
    %get3A_811 = vector.load %arg8[%get3A_809, %get3A_810] : memref<10x1000xf32, #tpu.memory_space<vmem>>, vector<1x1000xf32>
    %get3A_812 = vector.shape_cast %get3A_811 : vector<1x1000xf32> to vector<1000xf32>
    %sub3A_813 = vector.broadcast %reduce_min3A_645 : f32 to vector<1000xf32>
    %sub3A_814 = arith.subf %get3A_812, %sub3A_813 : vector<1000xf32>
    %sub3A_815 = arith.subf %reduce_max3A_653, %reduce_min3A_645 : f32
    %div3A_816 = vector.broadcast %sub3A_815 : f32 to vector<1000xf32>
    %div3A_817 = arith.divf %sub3A_814, %div3A_816 : vector<1000xf32>
    %get3A_818 = arith.constant 3000 : index
    %get3A_819 = arith.constant 0 : index
    %get3A_820 = vector.load %arg6[%get3A_818, %get3A_819] : memref<10000x256xf32, #tpu.memory_space<vmem>>, vector<1000x256xf32>
    %get3A_821 = arith.constant 0 : index
    %get3A_822 = arith.constant 0 : index
    %get3A_823 = vector.load %arg2[%get3A_821, %get3A_822] : memref<258x64xf32, #tpu.memory_space<vmem>>, vector<256x64xf32>
    %dot_general3A_824 = arith.constant dense<0.000000e+00> : vector<1000x64xf32>
    %dot_general3A_825 = tpu.matmul %get3A_820, %get3A_823, %dot_general3A_824 {dimension_numbers = #tpu.dot_dimension_numbers<[1], [0], [0], [1], [0, 0, 1, 1], [], []>, transpose_lhs_hint = false} : vector<1000x256xf32>, vector<256x64xf32>, vector<1000x64xf32> -> vector<1000x64xf32>
    %broadcast_in_dim3A_826 = vector.shape_cast %div3A_808 : vector<1000xf32> to vector<1000x1xf32>
    %get3A_827 = arith.constant 256 : index
    %get3A_828 = arith.constant 0 : index
    %get3A_829 = vector.load %arg2[%get3A_827, %get3A_828] : memref<258x64xf32, #tpu.memory_space<vmem>>, vector<1x64xf32>
    %get3A_830 = vector.shape_cast %get3A_829 : vector<1x64xf32> to vector<64xf32>
    %broadcast_in_dim3A_831 = vector.shape_cast %get3A_830 : vector<64xf32> to vector<1x64xf32>
    %mul3A_832 = vector.broadcast %broadcast_in_dim3A_826 : vector<1000x1xf32> to vector<1000x64xf32>
    %mul3A_833 = vector.broadcast %broadcast_in_dim3A_831 : vector<1x64xf32> to vector<1000x64xf32>
    %mul3A_834 = arith.mulf %mul3A_832, %mul3A_833 : vector<1000x64xf32>
    %add3A_835 = arith.addf %dot_general3A_825, %mul3A_834 : vector<1000x64xf32>
    %broadcast_in_dim3A_836 = vector.shape_cast %div3A_817 : vector<1000xf32> to vector<1000x1xf32>
    %get3A_837 = arith.constant 257 : index
    %get3A_838 = arith.constant 0 : index
    %get3A_839 = vector.load %arg2[%get3A_837, %get3A_838] : memref<258x64xf32, #tpu.memory_space<vmem>>, vector<1x64xf32>
    %get3A_840 = vector.shape_cast %get3A_839 : vector<1x64xf32> to vector<64xf32>
    %broadcast_in_dim3A_841 = vector.shape_cast %get3A_840 : vector<64xf32> to vector<1x64xf32>
    %mul3A_842 = vector.broadcast %broadcast_in_dim3A_836 : vector<1000x1xf32> to vector<1000x64xf32>
    %mul3A_843 = vector.broadcast %broadcast_in_dim3A_841 : vector<1x64xf32> to vector<1000x64xf32>
    %mul3A_844 = arith.mulf %mul3A_842, %mul3A_843 : vector<1000x64xf32>
    %add3A_845 = arith.addf %add3A_835, %mul3A_844 : vector<1000x64xf32>
    %swap3A_846 = arith.constant 3000 : index
    %swap3A_847 = arith.constant 0 : index
    %swap3A_848 = vector.load %arg3[%swap3A_846, %swap3A_847] : memref<10000x64xf32, #tpu.memory_space<vmem>>, vector<1000x64xf32>
    tpu.vector_store %arg3[%swap3A_846, %swap3A_847], %add3A_845 {strides = array<i32>} : memref<10000x64xf32, #tpu.memory_space<vmem>>, vector<1000x64xf32>,
    %get3A_849 = arith.constant 4 : index
    %get3A_850 = arith.constant 0 : index
    %get3A_851 = vector.load %arg7[%get3A_849, %get3A_850] : memref<10x1000xf32, #tpu.memory_space<vmem>>, vector<1x1000xf32>
    %get3A_852 = vector.shape_cast %get3A_851 : vector<1x1000xf32> to vector<1000xf32>
    %sub3A_853 = vector.broadcast %reduce_min3A_630 : f32 to vector<1000xf32>
    %sub3A_854 = arith.subf %get3A_852, %sub3A_853 : vector<1000xf32>
    %sub3A_855 = arith.subf %reduce_max3A_637, %reduce_min3A_630 : f32
    %div3A_856 = vector.broadcast %sub3A_855 : f32 to vector<1000xf32>
    %div3A_857 = arith.divf %sub3A_854, %div3A_856 : vector<1000xf32>
    %get3A_858 = arith.constant 4 : index
    %get3A_859 = arith.constant 0 : index
    %get3A_860 = vector.load %arg8[%get3A_858, %get3A_859] : memref<10x1000xf32, #tpu.memory_space<vmem>>, vector<1x1000xf32>
    %get3A_861 = vector.shape_cast %get3A_860 : vector<1x1000xf32> to vector<1000xf32>
    %sub3A_862 = vector.broadcast %reduce_min3A_645 : f32 to vector<1000xf32>
    %sub3A_863 = arith.subf %get3A_861, %sub3A_862 : vector<1000xf32>
    %sub3A_864 = arith.subf %reduce_max3A_653, %reduce_min3A_645 : f32
    %div3A_865 = vector.broadcast %sub3A_864 : f32 to vector<1000xf32>
    %div3A_866 = arith.divf %sub3A_863, %div3A_865 : vector<1000xf32>
    %get3A_867 = arith.constant 4000 : index
    %get3A_868 = arith.constant 0 : index
    %get3A_869 = vector.load %arg6[%get3A_867, %get3A_868] : memref<10000x256xf32, #tpu.memory_space<vmem>>, vector<1000x256xf32>
    %get3A_870 = arith.constant 0 : index
    %get3A_871 = arith.constant 0 : index
    %get3A_872 = vector.load %arg2[%get3A_870, %get3A_871] : memref<258x64xf32, #tpu.memory_space<vmem>>, vector<256x64xf32>
    %dot_general3A_873 = arith.constant dense<0.000000e+00> : vector<1000x64xf32>
    %dot_general3A_874 = tpu.matmul %get3A_869, %get3A_872, %dot_general3A_873 {dimension_numbers = #tpu.dot_dimension_numbers<[1], [0], [0], [1], [0, 0, 1, 1], [], []>, transpose_lhs_hint = false} : vector<1000x256xf32>, vector<256x64xf32>, vector<1000x64xf32> -> vector<1000x64xf32>
    %broadcast_in_dim3A_875 = vector.shape_cast %div3A_857 : vector<1000xf32> to vector<1000x1xf32>
    %get3A_876 = arith.constant 256 : index
    %get3A_877 = arith.constant 0 : index
    %get3A_878 = vector.load %arg2[%get3A_876, %get3A_877] : memref<258x64xf32, #tpu.memory_space<vmem>>, vector<1x64xf32>
    %get3A_879 = vector.shape_cast %get3A_878 : vector<1x64xf32> to vector<64xf32>
    %broadcast_in_dim3A_880 = vector.shape_cast %get3A_879 : vector<64xf32> to vector<1x64xf32>
    %mul3A_881 = vector.broadcast %broadcast_in_dim3A_875 : vector<1000x1xf32> to vector<1000x64xf32>
    %mul3A_882 = vector.broadcast %broadcast_in_dim3A_880 : vector<1x64xf32> to vector<1000x64xf32>
    %mul3A_883 = arith.mulf %mul3A_881, %mul3A_882 : vector<1000x64xf32>
    %add3A_884 = arith.addf %dot_general3A_874, %mul3A_883 : vector<1000x64xf32>
    %broadcast_in_dim3A_885 = vector.shape_cast %div3A_866 : vector<1000xf32> to vector<1000x1xf32>
    %get3A_886 = arith.constant 257 : index
    %get3A_887 = arith.constant 0 : index
    %get3A_888 = vector.load %arg2[%get3A_886, %get3A_887] : memref<258x64xf32, #tpu.memory_space<vmem>>, vector<1x64xf32>
    %get3A_889 = vector.shape_cast %get3A_888 : vector<1x64xf32> to vector<64xf32>
    %broadcast_in_dim3A_890 = vector.shape_cast %get3A_889 : vector<64xf32> to vector<1x64xf32>
    %mul3A_891 = vector.broadcast %broadcast_in_dim3A_885 : vector<1000x1xf32> to vector<1000x64xf32>
    %mul3A_892 = vector.broadcast %broadcast_in_dim3A_890 : vector<1x64xf32> to vector<1000x64xf32>
    %mul3A_893 = arith.mulf %mul3A_891, %mul3A_892 : vector<1000x64xf32>
    %add3A_894 = arith.addf %add3A_884, %mul3A_893 : vector<1000x64xf32>
    %swap3A_895 = arith.constant 4000 : index
    %swap3A_896 = arith.constant 0 : index
    %swap3A_897 = vector.load %arg3[%swap3A_895, %swap3A_896] : memref<10000x64xf32, #tpu.memory_space<vmem>>, vector<1000x64xf32>
    tpu.vector_store %arg3[%swap3A_895, %swap3A_896], %add3A_894 {strides = array<i32>} : memref<10000x64xf32, #tpu.memory_space<vmem>>, vector<1000x64xf32>,
    %get3A_898 = arith.constant 5 : index
    %get3A_899 = arith.constant 0 : index
    %get3A_900 = vector.load %arg7[%get3A_898, %get3A_899] : memref<10x1000xf32, #tpu.memory_space<vmem>>, vector<1x1000xf32>
    %get3A_901 = vector.shape_cast %get3A_900 : vector<1x1000xf32> to vector<1000xf32>
    %sub3A_902 = vector.broadcast %reduce_min3A_630 : f32 to vector<1000xf32>
    %sub3A_903 = arith.subf %get3A_901, %sub3A_902 : vector<1000xf32>
    %sub3A_904 = arith.subf %reduce_max3A_637, %reduce_min3A_630 : f32
    %div3A_905 = vector.broadcast %sub3A_904 : f32 to vector<1000xf32>
    %div3A_906 = arith.divf %sub3A_903, %div3A_905 : vector<1000xf32>
    %get3A_907 = arith.constant 5 : index
    %get3A_908 = arith.constant 0 : index
    %get3A_909 = vector.load %arg8[%get3A_907, %get3A_908] : memref<10x1000xf32, #tpu.memory_space<vmem>>, vector<1x1000xf32>
    %get3A_910 = vector.shape_cast %get3A_909 : vector<1x1000xf32> to vector<1000xf32>
    %sub3A_911 = vector.broadcast %reduce_min3A_645 : f32 to vector<1000xf32>
    %sub3A_912 = arith.subf %get3A_910, %sub3A_911 : vector<1000xf32>
    %sub3A_913 = arith.subf %reduce_max3A_653, %reduce_min3A_645 : f32
    %div3A_914 = vector.broadcast %sub3A_913 : f32 to vector<1000xf32>
    %div3A_915 = arith.divf %sub3A_912, %div3A_914 : vector<1000xf32>
    %get3A_916 = arith.constant 5000 : index
    %get3A_917 = arith.constant 0 : index
    %get3A_918 = vector.load %arg6[%get3A_916, %get3A_917] : memref<10000x256xf32, #tpu.memory_space<vmem>>, vector<1000x256xf32>
    %get3A_919 = arith.constant 0 : index
    %get3A_920 = arith.constant 0 : index
    %get3A_921 = vector.load %arg2[%get3A_919, %get3A_920] : memref<258x64xf32, #tpu.memory_space<vmem>>, vector<256x64xf32>
    %dot_general3A_922 = arith.constant dense<0.000000e+00> : vector<1000x64xf32>
    %dot_general3A_923 = tpu.matmul %get3A_918, %get3A_921, %dot_general3A_922 {dimension_numbers = #tpu.dot_dimension_numbers<[1], [0], [0], [1], [0, 0, 1, 1], [], []>, transpose_lhs_hint = false} : vector<1000x256xf32>, vector<256x64xf32>, vector<1000x64xf32> -> vector<1000x64xf32>
    %broadcast_in_dim3A_924 = vector.shape_cast %div3A_906 : vector<1000xf32> to vector<1000x1xf32>
    %get3A_925 = arith.constant 256 : index
    %get3A_926 = arith.constant 0 : index
    %get3A_927 = vector.load %arg2[%get3A_925, %get3A_926] : memref<258x64xf32, #tpu.memory_space<vmem>>, vector<1x64xf32>
    %get3A_928 = vector.shape_cast %get3A_927 : vector<1x64xf32> to vector<64xf32>
    %broadcast_in_dim3A_929 = vector.shape_cast %get3A_928 : vector<64xf32> to vector<1x64xf32>
    %mul3A_930 = vector.broadcast %broadcast_in_dim3A_924 : vector<1000x1xf32> to vector<1000x64xf32>
    %mul3A_931 = vector.broadcast %broadcast_in_dim3A_929 : vector<1x64xf32> to vector<1000x64xf32>
    %mul3A_932 = arith.mulf %mul3A_930, %mul3A_931 : vector<1000x64xf32>
    %add3A_933 = arith.addf %dot_general3A_923, %mul3A_932 : vector<1000x64xf32>
    %broadcast_in_dim3A_934 = vector.shape_cast %div3A_915 : vector<1000xf32> to vector<1000x1xf32>
    %get3A_935 = arith.constant 257 : index
    %get3A_936 = arith.constant 0 : index
    %get3A_937 = vector.load %arg2[%get3A_935, %get3A_936] : memref<258x64xf32, #tpu.memory_space<vmem>>, vector<1x64xf32>
    %get3A_938 = vector.shape_cast %get3A_937 : vector<1x64xf32> to vector<64xf32>
    %broadcast_in_dim3A_939 = vector.shape_cast %get3A_938 : vector<64xf32> to vector<1x64xf32>
    %mul3A_940 = vector.broadcast %broadcast_in_dim3A_934 : vector<1000x1xf32> to vector<1000x64xf32>
    %mul3A_941 = vector.broadcast %broadcast_in_dim3A_939 : vector<1x64xf32> to vector<1000x64xf32>
    %mul3A_942 = arith.mulf %mul3A_940, %mul3A_941 : vector<1000x64xf32>
    %add3A_943 = arith.addf %add3A_933, %mul3A_942 : vector<1000x64xf32>
    %swap3A_944 = arith.constant 5000 : index
    %swap3A_945 = arith.constant 0 : index
    %swap3A_946 = vector.load %arg3[%swap3A_944, %swap3A_945] : memref<10000x64xf32, #tpu.memory_space<vmem>>, vector<1000x64xf32>
    tpu.vector_store %arg3[%swap3A_944, %swap3A_945], %add3A_943 {strides = array<i32>} : memref<10000x64xf32, #tpu.memory_space<vmem>>, vector<1000x64xf32>,
    %get3A_947 = arith.constant 6 : index
    %get3A_948 = arith.constant 0 : index
    %get3A_949 = vector.load %arg7[%get3A_947, %get3A_948] : memref<10x1000xf32, #tpu.memory_space<vmem>>, vector<1x1000xf32>
    %get3A_950 = vector.shape_cast %get3A_949 : vector<1x1000xf32> to vector<1000xf32>
    %sub3A_951 = vector.broadcast %reduce_min3A_630 : f32 to vector<1000xf32>
    %sub3A_952 = arith.subf %get3A_950, %sub3A_951 : vector<1000xf32>
    %sub3A_953 = arith.subf %reduce_max3A_637, %reduce_min3A_630 : f32
    %div3A_954 = vector.broadcast %sub3A_953 : f32 to vector<1000xf32>
    %div3A_955 = arith.divf %sub3A_952, %div3A_954 : vector<1000xf32>
    %get3A_956 = arith.constant 6 : index
    %get3A_957 = arith.constant 0 : index
    %get3A_958 = vector.load %arg8[%get3A_956, %get3A_957] : memref<10x1000xf32, #tpu.memory_space<vmem>>, vector<1x1000xf32>
    %get3A_959 = vector.shape_cast %get3A_958 : vector<1x1000xf32> to vector<1000xf32>
    %sub3A_960 = vector.broadcast %reduce_min3A_645 : f32 to vector<1000xf32>
    %sub3A_961 = arith.subf %get3A_959, %sub3A_960 : vector<1000xf32>
    %sub3A_962 = arith.subf %reduce_max3A_653, %reduce_min3A_645 : f32
    %div3A_963 = vector.broadcast %sub3A_962 : f32 to vector<1000xf32>
    %div3A_964 = arith.divf %sub3A_961, %div3A_963 : vector<1000xf32>
    %get3A_965 = arith.constant 6000 : index
    %get3A_966 = arith.constant 0 : index
    %get3A_967 = vector.load %arg6[%get3A_965, %get3A_966] : memref<10000x256xf32, #tpu.memory_space<vmem>>, vector<1000x256xf32>
    %get3A_968 = arith.constant 0 : index
    %get3A_969 = arith.constant 0 : index
    %get3A_970 = vector.load %arg2[%get3A_968, %get3A_969] : memref<258x64xf32, #tpu.memory_space<vmem>>, vector<256x64xf32>
    %dot_general3A_971 = arith.constant dense<0.000000e+00> : vector<1000x64xf32>
    %dot_general3A_972 = tpu.matmul %get3A_967, %get3A_970, %dot_general3A_971 {dimension_numbers = #tpu.dot_dimension_numbers<[1], [0], [0], [1], [0, 0, 1, 1], [], []>, transpose_lhs_hint = false} : vector<1000x256xf32>, vector<256x64xf32>, vector<1000x64xf32> -> vector<1000x64xf32>
    %broadcast_in_dim3A_973 = vector.shape_cast %div3A_955 : vector<1000xf32> to vector<1000x1xf32>
    %get3A_974 = arith.constant 256 : index
    %get3A_975 = arith.constant 0 : index
    %get3A_976 = vector.load %arg2[%get3A_974, %get3A_975] : memref<258x64xf32, #tpu.memory_space<vmem>>, vector<1x64xf32>
    %get3A_977 = vector.shape_cast %get3A_976 : vector<1x64xf32> to vector<64xf32>
    %broadcast_in_dim3A_978 = vector.shape_cast %get3A_977 : vector<64xf32> to vector<1x64xf32>
    %mul3A_979 = vector.broadcast %broadcast_in_dim3A_973 : vector<1000x1xf32> to vector<1000x64xf32>
    %mul3A_980 = vector.broadcast %broadcast_in_dim3A_978 : vector<1x64xf32> to vector<1000x64xf32>
    %mul3A_981 = arith.mulf %mul3A_979, %mul3A_980 : vector<1000x64xf32>
    %add3A_982 = arith.addf %dot_general3A_972, %mul3A_981 : vector<1000x64xf32>
    %broadcast_in_dim3A_983 = vector.shape_cast %div3A_964 : vector<1000xf32> to vector<1000x1xf32>
    %get3A_984 = arith.constant 257 : index
    %get3A_985 = arith.constant 0 : index
    %get3A_986 = vector.load %arg2[%get3A_984, %get3A_985] : memref<258x64xf32, #tpu.memory_space<vmem>>, vector<1x64xf32>
    %get3A_987 = vector.shape_cast %get3A_986 : vector<1x64xf32> to vector<64xf32>
    %broadcast_in_dim3A_988 = vector.shape_cast %get3A_987 : vector<64xf32> to vector<1x64xf32>
    %mul3A_989 = vector.broadcast %broadcast_in_dim3A_983 : vector<1000x1xf32> to vector<1000x64xf32>
    %mul3A_990 = vector.broadcast %broadcast_in_dim3A_988 : vector<1x64xf32> to vector<1000x64xf32>
    %mul3A_991 = arith.mulf %mul3A_989, %mul3A_990 : vector<1000x64xf32>
    %add3A_992 = arith.addf %add3A_982, %mul3A_991 : vector<1000x64xf32>
    %swap3A_993 = arith.constant 6000 : index
    %swap3A_994 = arith.constant 0 : index
    %swap3A_995 = vector.load %arg3[%swap3A_993, %swap3A_994] : memref<10000x64xf32, #tpu.memory_space<vmem>>, vector<1000x64xf32>
    tpu.vector_store %arg3[%swap3A_993, %swap3A_994], %add3A_992 {strides = array<i32>} : memref<10000x64xf32, #tpu.memory_space<vmem>>, vector<1000x64xf32>,
    %get3A_996 = arith.constant 7 : index
    %get3A_997 = arith.constant 0 : index
    %get3A_998 = vector.load %arg7[%get3A_996, %get3A_997] : memref<10x1000xf32, #tpu.memory_space<vmem>>, vector<1x1000xf32>
    %get3A_999 = vector.shape_cast %get3A_998 : vector<1x1000xf32> to vector<1000xf32>
    %sub3A_1000 = vector.broadcast %reduce_min3A_630 : f32 to vector<1000xf32>
    %sub3A_1001 = arith.subf %get3A_999, %sub3A_1000 : vector<1000xf32>
    %sub3A_1002 = arith.subf %reduce_max3A_637, %reduce_min3A_630 : f32
    %div3A_1003 = vector.broadcast %sub3A_1002 : f32 to vector<1000xf32>
    %div3A_1004 = arith.divf %sub3A_1001, %div3A_1003 : vector<1000xf32>
    %get3A_1005 = arith.constant 7 : index
    %get3A_1006 = arith.constant 0 : index
    %get3A_1007 = vector.load %arg8[%get3A_1005, %get3A_1006] : memref<10x1000xf32, #tpu.memory_space<vmem>>, vector<1x1000xf32>
    %get3A_1008 = vector.shape_cast %get3A_1007 : vector<1x1000xf32> to vector<1000xf32>
    %sub3A_1009 = vector.broadcast %reduce_min3A_645 : f32 to vector<1000xf32>
    %sub3A_1010 = arith.subf %get3A_1008, %sub3A_1009 : vector<1000xf32>
    %sub3A_1011 = arith.subf %reduce_max3A_653, %reduce_min3A_645 : f32
    %div3A_1012 = vector.broadcast %sub3A_1011 : f32 to vector<1000xf32>
    %div3A_1013 = arith.divf %sub3A_1010, %div3A_1012 : vector<1000xf32>
    %get3A_1014 = arith.constant 7000 : index
    %get3A_1015 = arith.constant 0 : index
    %get3A_1016 = vector.load %arg6[%get3A_1014, %get3A_1015] : memref<10000x256xf32, #tpu.memory_space<vmem>>, vector<1000x256xf32>
    %get3A_1017 = arith.constant 0 : index
    %get3A_1018 = arith.constant 0 : index
    %get3A_1019 = vector.load %arg2[%get3A_1017, %get3A_1018] : memref<258x64xf32, #tpu.memory_space<vmem>>, vector<256x64xf32>
    %dot_general3A_1020 = arith.constant dense<0.000000e+00> : vector<1000x64xf32>
    %dot_general3A_1021 = tpu.matmul %get3A_1016, %get3A_1019, %dot_general3A_1020 {dimension_numbers = #tpu.dot_dimension_numbers<[1], [0], [0], [1], [0, 0, 1, 1], [], []>, transpose_lhs_hint = false} : vector<1000x256xf32>, vector<256x64xf32>, vector<1000x64xf32> -> vector<1000x64xf32>
    %broadcast_in_dim3A_1022 = vector.shape_cast %div3A_1004 : vector<1000xf32> to vector<1000x1xf32>
    %get3A_1023 = arith.constant 256 : index
    %get3A_1024 = arith.constant 0 : index
    %get3A_1025 = vector.load %arg2[%get3A_1023, %get3A_1024] : memref<258x64xf32, #tpu.memory_space<vmem>>, vector<1x64xf32>
    %get3A_1026 = vector.shape_cast %get3A_1025 : vector<1x64xf32> to vector<64xf32>
    %broadcast_in_dim3A_1027 = vector.shape_cast %get3A_1026 : vector<64xf32> to vector<1x64xf32>
    %mul3A_1028 = vector.broadcast %broadcast_in_dim3A_1022 : vector<1000x1xf32> to vector<1000x64xf32>
    %mul3A_1029 = vector.broadcast %broadcast_in_dim3A_1027 : vector<1x64xf32> to vector<1000x64xf32>
    %mul3A_1030 = arith.mulf %mul3A_1028, %mul3A_1029 : vector<1000x64xf32>
    %add3A_1031 = arith.addf %dot_general3A_1021, %mul3A_1030 : vector<1000x64xf32>
    %broadcast_in_dim3A_1032 = vector.shape_cast %div3A_1013 : vector<1000xf32> to vector<1000x1xf32>
    %get3A_1033 = arith.constant 257 : index
    %get3A_1034 = arith.constant 0 : index
    %get3A_1035 = vector.load %arg2[%get3A_1033, %get3A_1034] : memref<258x64xf32, #tpu.memory_space<vmem>>, vector<1x64xf32>
    %get3A_1036 = vector.shape_cast %get3A_1035 : vector<1x64xf32> to vector<64xf32>
    %broadcast_in_dim3A_1037 = vector.shape_cast %get3A_1036 : vector<64xf32> to vector<1x64xf32>
    %mul3A_1038 = vector.broadcast %broadcast_in_dim3A_1032 : vector<1000x1xf32> to vector<1000x64xf32>
    %mul3A_1039 = vector.broadcast %broadcast_in_dim3A_1037 : vector<1x64xf32> to vector<1000x64xf32>
    %mul3A_1040 = arith.mulf %mul3A_1038, %mul3A_1039 : vector<1000x64xf32>
    %add3A_1041 = arith.addf %add3A_1031, %mul3A_1040 : vector<1000x64xf32>
    %swap3A_1042 = arith.constant 7000 : index
    %swap3A_1043 = arith.constant 0 : index
    %swap3A_1044 = vector.load %arg3[%swap3A_1042, %swap3A_1043] : memref<10000x64xf32, #tpu.memory_space<vmem>>, vector<1000x64xf32>
    tpu.vector_store %arg3[%swap3A_1042, %swap3A_1043], %add3A_1041 {strides = array<i32>} : memref<10000x64xf32, #tpu.memory_space<vmem>>, vector<1000x64xf32>,
    %get3A_1045 = arith.constant 8 : index
    %get3A_1046 = arith.constant 0 : index
    %get3A_1047 = vector.load %arg7[%get3A_1045, %get3A_1046] : memref<10x1000xf32, #tpu.memory_space<vmem>>, vector<1x1000xf32>
    %get3A_1048 = vector.shape_cast %get3A_1047 : vector<1x1000xf32> to vector<1000xf32>
    %sub3A_1049 = vector.broadcast %reduce_min3A_630 : f32 to vector<1000xf32>
    %sub3A_1050 = arith.subf %get3A_1048, %sub3A_1049 : vector<1000xf32>
    %sub3A_1051 = arith.subf %reduce_max3A_637, %reduce_min3A_630 : f32
    %div3A_1052 = vector.broadcast %sub3A_1051 : f32 to vector<1000xf32>
    %div3A_1053 = arith.divf %sub3A_1050, %div3A_1052 : vector<1000xf32>
    %get3A_1054 = arith.constant 8 : index
    %get3A_1055 = arith.constant 0 : index
    %get3A_1056 = vector.load %arg8[%get3A_1054, %get3A_1055] : memref<10x1000xf32, #tpu.memory_space<vmem>>, vector<1x1000xf32>
    %get3A_1057 = vector.shape_cast %get3A_1056 : vector<1x1000xf32> to vector<1000xf32>
    %sub3A_1058 = vector.broadcast %reduce_min3A_645 : f32 to vector<1000xf32>
    %sub3A_1059 = arith.subf %get3A_1057, %sub3A_1058 : vector<1000xf32>
    %sub3A_1060 = arith.subf %reduce_max3A_653, %reduce_min3A_645 : f32
    %div3A_1061 = vector.broadcast %sub3A_1060 : f32 to vector<1000xf32>
    %div3A_1062 = arith.divf %sub3A_1059, %div3A_1061 : vector<1000xf32>
    %get3A_1063 = arith.constant 8000 : index
    %get3A_1064 = arith.constant 0 : index
    %get3A_1065 = vector.load %arg6[%get3A_1063, %get3A_1064] : memref<10000x256xf32, #tpu.memory_space<vmem>>, vector<1000x256xf32>
    %get3A_1066 = arith.constant 0 : index
    %get3A_1067 = arith.constant 0 : index
    %get3A_1068 = vector.load %arg2[%get3A_1066, %get3A_1067] : memref<258x64xf32, #tpu.memory_space<vmem>>, vector<256x64xf32>
    %dot_general3A_1069 = arith.constant dense<0.000000e+00> : vector<1000x64xf32>
    %dot_general3A_1070 = tpu.matmul %get3A_1065, %get3A_1068, %dot_general3A_1069 {dimension_numbers = #tpu.dot_dimension_numbers<[1], [0], [0], [1], [0, 0, 1, 1], [], []>, transpose_lhs_hint = false} : vector<1000x256xf32>, vector<256x64xf32>, vector<1000x64xf32> -> vector<1000x64xf32>
    %broadcast_in_dim3A_1071 = vector.shape_cast %div3A_1053 : vector<1000xf32> to vector<1000x1xf32>
    %get3A_1072 = arith.constant 256 : index
    %get3A_1073 = arith.constant 0 : index
    %get3A_1074 = vector.load %arg2[%get3A_1072, %get3A_1073] : memref<258x64xf32, #tpu.memory_space<vmem>>, vector<1x64xf32>
    %get3A_1075 = vector.shape_cast %get3A_1074 : vector<1x64xf32> to vector<64xf32>
    %broadcast_in_dim3A_1076 = vector.shape_cast %get3A_1075 : vector<64xf32> to vector<1x64xf32>
    %mul3A_1077 = vector.broadcast %broadcast_in_dim3A_1071 : vector<1000x1xf32> to vector<1000x64xf32>
    %mul3A_1078 = vector.broadcast %broadcast_in_dim3A_1076 : vector<1x64xf32> to vector<1000x64xf32>
    %mul3A_1079 = arith.mulf %mul3A_1077, %mul3A_1078 : vector<1000x64xf32>
    %add3A_1080 = arith.addf %dot_general3A_1070, %mul3A_1079 : vector<1000x64xf32>
    %broadcast_in_dim3A_1081 = vector.shape_cast %div3A_1062 : vector<1000xf32> to vector<1000x1xf32>
    %get3A_1082 = arith.constant 257 : index
    %get3A_1083 = arith.constant 0 : index
    %get3A_1084 = vector.load %arg2[%get3A_1082, %get3A_1083] : memref<258x64xf32, #tpu.memory_space<vmem>>, vector<1x64xf32>
    %get3A_1085 = vector.shape_cast %get3A_1084 : vector<1x64xf32> to vector<64xf32>
    %broadcast_in_dim3A_1086 = vector.shape_cast %get3A_1085 : vector<64xf32> to vector<1x64xf32>
    %mul3A_1087 = vector.broadcast %broadcast_in_dim3A_1081 : vector<1000x1xf32> to vector<1000x64xf32>
    %mul3A_1088 = vector.broadcast %broadcast_in_dim3A_1086 : vector<1x64xf32> to vector<1000x64xf32>
    %mul3A_1089 = arith.mulf %mul3A_1087, %mul3A_1088 : vector<1000x64xf32>
    %add3A_1090 = arith.addf %add3A_1080, %mul3A_1089 : vector<1000x64xf32>
    %swap3A_1091 = arith.constant 8000 : index
    %swap3A_1092 = arith.constant 0 : index
    %swap3A_1093 = vector.load %arg3[%swap3A_1091, %swap3A_1092] : memref<10000x64xf32, #tpu.memory_space<vmem>>, vector<1000x64xf32>
    tpu.vector_store %arg3[%swap3A_1091, %swap3A_1092], %add3A_1090 {strides = array<i32>} : memref<10000x64xf32, #tpu.memory_space<vmem>>, vector<1000x64xf32>,
    %get3A_1094 = arith.constant 9 : index
    %get3A_1095 = arith.constant 0 : index
    %get3A_1096 = vector.load %arg7[%get3A_1094, %get3A_1095] : memref<10x1000xf32, #tpu.memory_space<vmem>>, vector<1x1000xf32>
    %get3A_1097 = vector.shape_cast %get3A_1096 : vector<1x1000xf32> to vector<1000xf32>
    %sub3A_1098 = vector.broadcast %reduce_min3A_630 : f32 to vector<1000xf32>
    %sub3A_1099 = arith.subf %get3A_1097, %sub3A_1098 : vector<1000xf32>
    %sub3A_1100 = arith.subf %reduce_max3A_637, %reduce_min3A_630 : f32
    %div3A_1101 = vector.broadcast %sub3A_1100 : f32 to vector<1000xf32>
    %div3A_1102 = arith.divf %sub3A_1099, %div3A_1101 : vector<1000xf32>
    %get3A_1103 = arith.constant 9 : index
    %get3A_1104 = arith.constant 0 : index
    %get3A_1105 = vector.load %arg8[%get3A_1103, %get3A_1104] : memref<10x1000xf32, #tpu.memory_space<vmem>>, vector<1x1000xf32>
    %get3A_1106 = vector.shape_cast %get3A_1105 : vector<1x1000xf32> to vector<1000xf32>
    %sub3A_1107 = vector.broadcast %reduce_min3A_645 : f32 to vector<1000xf32>
    %sub3A_1108 = arith.subf %get3A_1106, %sub3A_1107 : vector<1000xf32>
    %sub3A_1109 = arith.subf %reduce_max3A_653, %reduce_min3A_645 : f32
    %div3A_1110 = vector.broadcast %sub3A_1109 : f32 to vector<1000xf32>
    %div3A_1111 = arith.divf %sub3A_1108, %div3A_1110 : vector<1000xf32>
    %get3A_1112 = arith.constant 9000 : index
    %get3A_1113 = arith.constant 0 : index
    %get3A_1114 = vector.load %arg6[%get3A_1112, %get3A_1113] : memref<10000x256xf32, #tpu.memory_space<vmem>>, vector<1000x256xf32>
    %get3A_1115 = arith.constant 0 : index
    %get3A_1116 = arith.constant 0 : index
    %get3A_1117 = vector.load %arg2[%get3A_1115, %get3A_1116] : memref<258x64xf32, #tpu.memory_space<vmem>>, vector<256x64xf32>
    %dot_general3A_1118 = arith.constant dense<0.000000e+00> : vector<1000x64xf32>
    %dot_general3A_1119 = tpu.matmul %get3A_1114, %get3A_1117, %dot_general3A_1118 {dimension_numbers = #tpu.dot_dimension_numbers<[1], [0], [0], [1], [0, 0, 1, 1], [], []>, transpose_lhs_hint = false} : vector<1000x256xf32>, vector<256x64xf32>, vector<1000x64xf32> -> vector<1000x64xf32>
    %broadcast_in_dim3A_1120 = vector.shape_cast %div3A_1102 : vector<1000xf32> to vector<1000x1xf32>
    %get3A_1121 = arith.constant 256 : index
    %get3A_1122 = arith.constant 0 : index
    %get3A_1123 = vector.load %arg2[%get3A_1121, %get3A_1122] : memref<258x64xf32, #tpu.memory_space<vmem>>, vector<1x64xf32>
    %get3A_1124 = vector.shape_cast %get3A_1123 : vector<1x64xf32> to vector<64xf32>
    %broadcast_in_dim3A_1125 = vector.shape_cast %get3A_1124 : vector<64xf32> to vector<1x64xf32>
    %mul3A_1126 = vector.broadcast %broadcast_in_dim3A_1120 : vector<1000x1xf32> to vector<1000x64xf32>
    %mul3A_1127 = vector.broadcast %broadcast_in_dim3A_1125 : vector<1x64xf32> to vector<1000x64xf32>
    %mul3A_1128 = arith.mulf %mul3A_1126, %mul3A_1127 : vector<1000x64xf32>
    %add3A_1129 = arith.addf %dot_general3A_1119, %mul3A_1128 : vector<1000x64xf32>
    %broadcast_in_dim3A_1130 = vector.shape_cast %div3A_1111 : vector<1000xf32> to vector<1000x1xf32>
    %get3A_1131 = arith.constant 257 : index
    %get3A_1132 = arith.constant 0 : index
    %get3A_1133 = vector.load %arg2[%get3A_1131, %get3A_1132] : memref<258x64xf32, #tpu.memory_space<vmem>>, vector<1x64xf32>
    %get3A_1134 = vector.shape_cast %get3A_1133 : vector<1x64xf32> to vector<64xf32>
    %broadcast_in_dim3A_1135 = vector.shape_cast %get3A_1134 : vector<64xf32> to vector<1x64xf32>
    %mul3A_1136 = vector.broadcast %broadcast_in_dim3A_1130 : vector<1000x1xf32> to vector<1000x64xf32>
    %mul3A_1137 = vector.broadcast %broadcast_in_dim3A_1135 : vector<1x64xf32> to vector<1000x64xf32>
    %mul3A_1138 = arith.mulf %mul3A_1136, %mul3A_1137 : vector<1000x64xf32>
    %add3A_1139 = arith.addf %add3A_1129, %mul3A_1138 : vector<1000x64xf32>
    %swap3A_1140 = arith.constant 9000 : index
    %swap3A_1141 = arith.constant 0 : index
    %swap3A_1142 = vector.load %arg3[%swap3A_1140, %swap3A_1141] : memref<10000x64xf32, #tpu.memory_space<vmem>>, vector<1000x64xf32>
    tpu.vector_store %arg3[%swap3A_1140, %swap3A_1141], %add3A_1139 {strides = array<i32>} : memref<10000x64xf32, #tpu.memory_space<vmem>>, vector<1000x64xf32>,
    return
  }
}

module attributes {stable_mosaic.version = 14 : i64} {
  func.func @_lsm_body(%arg0: i32, %arg1: memref<2x1000x64xf32, #tpu.memory_space<vmem>>, %arg2: memref<1000x64xf32, #tpu.memory_space<vmem>>) attributes {dimension_semantics = [#tpu.dimension_semantics<arbitrary>], iteration_bounds = array<i64: 10>, scalar_prefetch = 0 : i64, scratch_operands = 0 : i64, tpu.core_type = #tpu.core_type<tc>, window_params = [{transform_indices = @transform_0, window_bounds = array<i64: 2, 1000, 64>}, {transform_indices = @transform_1, window_bounds = array<i64: 1000, 64>}]} {
    %get3A = arith.constant 0 : index
    %get3A_0 = arith.constant 0 : index
    %get3A_1 = arith.constant 0 : index
    %get3A_2 = vector.load %arg1[%get3A, %get3A_0, %get3A_1] : memref<2x1000x64xf32, #tpu.memory_space<vmem>>, vector<1x1000x64xf32>
    %get3A_3 = vector.shape_cast %get3A_2 : vector<1x1000x64xf32> to vector<1000x64xf32>
    %get3A_4 = arith.constant 1 : index
    %get3A_5 = arith.constant 0 : index
    %get3A_6 = arith.constant 0 : index
    %get3A_7 = vector.load %arg1[%get3A_4, %get3A_5, %get3A_6] : memref<2x1000x64xf32, #tpu.memory_space<vmem>>, vector<1x1000x64xf32>
    %get3A_8 = vector.shape_cast %get3A_7 : vector<1x1000x64xf32> to vector<1000x64xf32>
    %add3A = arith.addf %get3A_3, %get3A_8 : vector<1000x64xf32>
    %reduce_max3A = arith.constant dense<0xFF800000> : vector<1000xf32>
    %reduce_max3A_9 = vector.multi_reduction <maximumf>, %add3A, %reduce_max3A [1] : vector<1000x64xf32> to vector<1000xf32>
    %broadcast_in_dim3A = vector.shape_cast %reduce_max3A_9 : vector<1000xf32> to vector<1000x1xf32>
    %sub3A = vector.broadcast %broadcast_in_dim3A : vector<1000x1xf32> to vector<1000x64xf32>
    %sub3A_10 = arith.subf %add3A, %sub3A : vector<1000x64xf32>
    %sub3A_11 = vector.broadcast %broadcast_in_dim3A : vector<1000x1xf32> to vector<1000x64xf32>
    %sub3A_12 = arith.subf %add3A, %sub3A_11 : vector<1000x64xf32>
    %exp3A = math.exp %sub3A_12 : vector<1000x64xf32>
    %reduce_sum3A = arith.constant dense<0.000000e+00> : vector<1000xf32>
    %reduce_sum3A_13 = vector.multi_reduction <add>, %exp3A, %reduce_sum3A [1] : vector<1000x64xf32> to vector<1000xf32>
    %broadcast_in_dim3A_14 = vector.shape_cast %reduce_sum3A_13 : vector<1000xf32> to vector<1000x1xf32>
    %log3A = math.log %broadcast_in_dim3A_14 : vector<1000x1xf32>
    %sub3A_15 = vector.broadcast %log3A : vector<1000x1xf32> to vector<1000x64xf32>
    %sub3A_16 = arith.subf %sub3A_10, %sub3A_15 : vector<1000x64xf32>
    %swap3A = arith.constant 0 : index
    %swap3A_17 = arith.constant 0 : index
    %swap3A_18 = vector.load %arg2[%swap3A, %swap3A_17] : memref<1000x64xf32, #tpu.memory_space<vmem>>, vector<1000x64xf32>
    tpu.vector_store %arg2[%swap3A, %swap3A_17], %sub3A_16 {strides = array<i32>} : memref<1000x64xf32, #tpu.memory_space<vmem>>, vector<1000x64xf32>,
    return
  }
  func.func @transform_0(%arg0: i32) -> (i32, i32, i32) {
    %c0_i32 = arith.constant 0 : i32
    %c0_i32_0 = arith.constant 0 : i32
    %c0_i32_1 = arith.constant 0 : i32
    return %c0_i32, %arg0, %c0_i32_0 : i32, i32, i32
  }
  func.func @transform_1(%arg0: i32) -> (i32, i32) {
    %c0_i32 = arith.constant 0 : i32
    %c0_i32_0 = arith.constant 0 : i32
    return %arg0, %c0_i32 : i32, i32
  }
}

</mosaic_0001>

<sc_bundles>
// kernel: kernel.10.cloned.1.call-start
scs
__scs_entry_jumppad:
0x0: {  	(pc) =	sbr.rel $0x88, $3  }
0x1: {  	(tag) =	ssettag $0x0;
	lr =	simm.s32 $0x1  }
0x2: {  	[smem:$0x3F9D] =	sst lr;
	_ =	strace $0xD0000000  }
0x3: {  	_ = 	snop  }
0x4: {  	_ = 	snop  }
0x5: {  	_ = 	snop  }
0x6: {  	_ = 	snop  }
0x7: {  	_ = 	snop  }
__scs_overlays_trampoline_lowered:
0x8: {  	[smem:$0x3FAC] =	sst s0  }
0x9: {  	[smem:$0x3FAD] =	sst s1  }
0xa: {  	[smem:$0x3FAE] =	sst s2  }
0xb: {  	[smem:$0x3FAF] =	sst s3  }
0xc: {  	[smem:$0x3FB0] =	sst s4  }
0xd: {  	[smem:$0x3FB1] =	sst s5  }
0xe: {  	[smem:$0x3FB2] =	sst s6  }
0xf: {  	[smem:$0x3FB3] =	sst s7  }
0x10: {  	[smem:$0x3FB4] =	sst s8  }
0x11: {  	[smem:$0x3FB5] =	sst s9;
	s0 =	simm.s32 @!p0 $0x0  }
0x12: {  	s1 =	sld [smem:$0x3F9B];
	s0 =	simm.s32 @p0 $0x1  }
0x13: {  	[smem:$0x3FB6] =	sst s0;
	s0 =	simm.s32 @!p1 $0x0  }
0x14: {  	s2 =	sld [smem:$0x3F9A];
	s0 =	simm.s32 @p1 $0x1  }
0x15: {  	[smem:$0x3FB7] =	sst s0;
	s0 =	simm.s32 @!p2 $0x0  }
0x16: {  	s3 =	sld [smem:$0x3FDB];
	s0 =	simm.s32 @p2 $0x1  }
0x17: {  	s4 =	simm.s32 $0x1BF5;
	[smem:$0x3FB9] =	sst s0  }
0x18: {  	s0 =	sld [smem:$0x3F9C];
	_ =	swait.ge [sflag:s4], $0x0  }
0x19: {  	s7 =	sld [smem:$0x3F9D]  }
0x1a: {  	s8 =	sadd.s32 $0xFFFFE003, lr  }
0x1b: {  	s9 =	sadd.s32 $0xFFFFFEF7, lr;
	s5 =	simm.s32 $0xFFFFFFFF;
	p2 =	slt.u32 s8, $0xFFFFF086  }
0x1c: {  	p1 =	slt.u32 s9, $0xF7A;
	s5 =	simm.s32 @!p2 $0x0  }
0x1d: {  	s5 =	simm.s32 @p1 $0x1;
	p0 =	seq.s32 s7, s2  }
0x1e: {  	s7 =	smul.u32 @!p0 $0xF7A, s2;
	p2 =	seq.s32 @!p0 s5, $0x0  }
0x1f: {  	s9 =	smul.u32 $0xF7A, s1;
	s8 =	simm.s32 @!p0 $0x1BF5;
	p2 =	por !p2, p0  }
0x20: {  	[sflag:s8] =	ssyncset.s32 @!p0 $0xFFFFF086;
	s6 =	sadd.s32 @!p0 s3, s7;
	s7 =	simm.s32 @!p0 $0x108  }
0x21: {  	s3 =	sadd.s32 s3, s9;
	s6 =	sadd.s32 @!p0 $0x88, s6;
	s7 =	simm.s32 @p2 $0x1082  }
0x22: {  	[simem:s7], [sflag:s8] =	dma.local @!p0 [hbm:s6], $0xF7A  }
0x23: {  	s9 =	sor.u32 $0xD0000000, s2;
	s6 =	simm.s32 $0x108;
	_ =	swait.ge @!p0 [sflag:s8], $0x0  }
0x24: {  	s3 =	sadd.s32 $0x88, s3;
	s6 =	simm.s32 @!p1 $0x1082;
	[sflag:s4] =	ssyncset.s32 $0xFFFFF086  }
0x25: {  	[simem:s6], [sflag:s4] =	dma.local [hbm:s3], $0xF7A  }
0x26: {  	[smem:$0x3F9D] =	sst s1;
	(tag) =	ssettag s2;
	_ =	strace s9  }
0x27: {  	s1 =	sld [smem:$0x3FAD]  }
0x28: {  	s2 =	sld [smem:$0x3FAE]  }
0x29: {  	s4 =	sld [smem:$0x3FB0]  }
0x2a: {  	p0 =	seq.s32 s5, $0x0;
	s5 =	sld [smem:$0x3FB1]  }
0x2b: {  	s6 =	sld [smem:$0x3FB2]  }
0x2c: {  	s7 =	sld [smem:$0x3FB3]  }
0x2d: {  	s3 =	simm.s32 $0x108;
	s8 =	sld [smem:$0x3FB4]  }
0x2e: {  	s3 =	simm.s32 @!p0 $0x1082;
	s9 =	sld [smem:$0x3FB5]  }
0x2f: {  	lr =	sadd.s32 s0, s3;
	s0 =	sld [smem:$0x3FAC]  }
0x30: {  	s3 =	sld [smem:$0x3FAF]  }
0x31: {  	[smem:$0x3FB8] =	sst s10  }
0x32: {  	s10 =	sld [smem:$0x3FB6];
	_ =	sdelay $0x3  }
0x33: {  	p0 =	seq.s32 s10, $0x1;
	s10 =	sld [smem:$0x3FB8];
	_ =	sdelay $0x3  }
0x34: {  	[smem:$0x3FB8] =	sst s10  }
0x35: {  	s10 =	sld [smem:$0x3FB7];
	_ =	sdelay $0x3  }
0x36: {  	p1 =	seq.s32 s10, $0x1;
	s10 =	sld [smem:$0x3FB8];
	_ =	sdelay $0x3  }
0x37: {  	[smem:$0x3FB8] =	sst s10  }
0x38: {  	s10 =	sld [smem:$0x3FB9]  }
0x39: {  	_ = 	snop;
	(pc) =	sbr.ind lr, $3  }
0x3a: {  	_ = 	snop  }
0x3b: {  	_ = 	snop  }
0x3c: {  	p2 =	seq.s32 s10, $0x1;
	s10 =	sld [smem:$0x3FB8]  }
0x3d: {  	_ =	shalt  }
0x3e: {  	_ =	shalt  }
0x3f: {  	_ =	shalt  }
0x40: {  	_ =	shalt  }
0x41: {  	_ =	shalt  }
0x42: {  	_ =	shalt  }
0x43: {  	_ =	shalt  }
0x44: {  	_ =	shalt  }
0x45: {  	_ =	shalt  }
0x46: {  	_ =	shalt  }
0x47: {  	_ =	shalt  }
0x48: {  	_ =	shalt  }
0x49: {  	_ =	shalt  }
0x4a: {  	_ =	shalt  }
0x4b: {  	_ =	shalt  }
0x4c: {  	_ =	shalt  }
0x4d: {  	_ =	shalt  }
0x4e: {  	_ =	shalt  }
0x4f: {  	_ =	shalt  }
0x50: {  	_ =	shalt  }
0x51: {  	_ =	shalt  }
0x52: {  	_ =	shalt  }
0x53: {  	_ =	shalt  }
0x54: {  	_ =	shalt  }
0x55: {  	_ =	shalt  }
0x56: {  	_ =	shalt  }
0x57: {  	_ =	shalt  }
0x58: {  	_ =	shalt  }
0x59: {  	_ =	shalt  }
0x5a: {  	_ =	shalt  }
0x5b: {  	_ =	shalt  }
0x5c: {  	_ =	shalt  }
0x5d: {  	_ =	shalt  }
0x5e: {  	_ =	shalt  }
0x5f: {  	_ =	shalt  }
0x60: {  	_ =	shalt  }
0x61: {  	_ =	shalt  }
0x62: {  	_ =	shalt  }
0x63: {  	_ =	shalt  }
0x64: {  	_ =	shalt  }
0x65: {  	_ =	shalt  }
0x66: {  	_ =	shalt  }
0x67: {  	_ =	shalt  }
0x68: {  	_ =	shalt  }
0x69: {  	_ =	shalt  }
0x6a: {  	_ =	shalt  }
0x6b: {  	_ =	shalt  }
0x6c: {  	_ =	shalt  }
0x6d: {  	_ =	shalt  }
0x6e: {  	_ =	shalt  }
0x6f: {  	_ =	shalt  }
0x70: {  	_ =	shalt  }
0x71: {  	_ =	shalt  }
0x72: {  	_ =	shalt  }
0x73: {  	_ =	shalt  }
0x74: {  	_ =	shalt  }
0x75: {  	_ =	shalt  }
0x76: {  	_ =	shalt  }
0x77: {  	_ =	shalt  }
0x78: {  	_ =	shalt  }
0x79: {  	_ =	shalt  }
0x7a: {  	_ =	shalt  }
0x7b: {  	_ =	shalt  }
0x7c: {  	_ =	shalt  }
0x7d: {  	_ =	shalt  }
0x7e: {  	_ =	shalt  }
0x7f: {  	_ =	shalt  }
0x80: {  	_ =	shalt  }
0x81: {  	_ =	shalt  }
0x82: {  	_ =	shalt  }
0x83: {  	_ =	shalt  }
0x84: {  	_ =	shalt  }
0x85: {  	_ =	shalt  }
0x86: {  	_ =	shalt  }
0x87: {  	_ =	shalt  }
.Lfunc_end0:
.L_simem_size_0:
called_computation.1_lowered:
.L_overlay_start_0:
0x88: {  	s2 =	sld [smem:$0x3FD9]  }
0x89: {  	s3 =	sld [smem:$0x3FFE];
	_ =	sdelay $0x1  }
0x8a: {  	s1 =	srdreg.scid  }
0x8b: {  	s0 =	sand.u32 $0x1, s1  }
0x8c: {  	s17 =	sshll.u32 s0, $0xA;
	s2 =	sadd.s32 s3, s2  }
0x8d: {  	s2 =	sadd.s32 s2, s17  }
0x8e: {  	[smem:$0x3FC4] =	sst s2  }
0x8f: {  	_ = 	snop  }
0x90: {  	s2 =	sld [smem:$0x3FD0];
	(tm) =	ssettm $0x1  }
0x91: {  	s18 =	sld [smem:$0x3FFB];
	_ =	sdelay $0x3  }
0x92: {  	_ =	strace s18  }
0x93: {  	s3 =	sld [smem:$0x3FFC];
	_ =	sdelay $0x3  }
0x94: {  	_ =	strace s3  }
0x95: {  	s3 =	sld [smem:$0x3FFD];
	_ =	sdelay $0x3  }
0x96: {  	_ =	strace s3  }
0x97: {  	_ =	strace $0x8FFFFFFF  }
0x98: {  	s19 =	sld [smem:$0x3FDB];
	_ =	sdelay $0x1  }
0x99: {  	s4 =	simm.s32 $_scs_section_size  }
0x9a: {  	s5 =	simm.s32 $_size__tile_overlayer_lowered;
	s6 =	simm.s32 $_tile_overlayer_lowered  }
0x9b: {  	s22 =	simm.s32 $0x1BFF;
	s21 =	sshll.u32 s6, $0x1;
	s3 =	sadd.s32 s4, s19  }
0x9c: {  	s7 =	simm.s32 $0x0;
	s20 =	sshll.u32 s5, $0x1;
	s5 =	sadd.s32 s21, s3  }
0x9d: {  	[timem:s7], [sflag:s22] =	dma.local [hbm:s5], s20  }
0x9e: {  	_ =	swait.ge [sflag:s22], s20  }
0x9f: {  	s4 =	ssub.s32 $0x0, s20;
	[sflag:s22] =	ssyncset.done $0x0  }
0xa0: {  	[sflag:s22] =	ssyncadd.s32 s4;
	_ =	sdelay $0x1  }
0xa1: {  	s23 =	simm.s32 $0x1B8B  }
0xa2: {  	_ =	swait.ge [sflag:s23], $0x1  }
0xa3: {  	[sflag:s23] =	ssyncset.done $0x0  }
0xa4: {  	s25 =	simm.s32 $0x1B8E;
	s24 =	sld [smem:$0x3FFE];
	[sflag:s23] =	ssyncadd.s32 $0xFFFFFFFF  }
0xa5: {  	s26 =	simm.s32 $execute0_lowered;
	[smem:$0x3FD2] =	sst s25  }
0xa6: {  	s5 =	sshll.u32 s26, $0x1;
	_ =	strace $0x80000049;
	[dreg:$0x1] =	wrdreg $0xFFFFFFFF  }
0xa7: {  	s28 =	simm.s32 $_size_execute0_lowered;
	s3 =	sadd.s32 s3, s5;
	[dreg:$0x0] =	wrdreg $0x0  }
0xa8: {  	s5 =	sshll.u32 s28, $0x1;
	[dreg:$0x2] =	wrdreg s3  }
0xa9: {  	[dreg:$0x3] =	wrdreg s5  }
0xaa: {  	[dreg:$0x4] =	wrdreg $0xC0  }
0xab: {  	_ =	task [dreg:s7], $0x5FFFF  }
0xac: {  	[dreg:$0x1] =	wrdreg $0xFFFFFFFF  }
0xad: {  	[dreg:$0x0] =	wrdreg $0x60  }
0xae: {  	[dreg:$0x2] =	wrdreg s2  }
0xaf: {  	[dreg:$0x3] =	wrdreg s24  }
0xb0: {  	[dreg:$0x4] =	wrdreg $0x8F000  }
0xb1: {  	[dreg:$0x5] =	wrdreg $0x9  }
0xb2: {  	_ =	task.clear_ibuf [dreg:s7], $0x6FFFF;
	_ =	strace $0x90000049  }
0xb3: {  	s29 =	simm.s32 $0x9;
	_ =	strace $0x8000004B  }
0xb4: {  	_ =	swait.ge [sflag:s29], $0x1  }
0xb5: {  	[sflag:s29] =	ssyncadd.s32 $0xFFFFFFFF  }
0xb6: {  	_ =	strace $0x9000004B  }
0xb7: {  	_ =	sfence  }
0xb8: {  	s30 =	sld [smem:$0x0];
	_ =	sdelay $0x2  }
0xb9: {  	s31 =	sshll.u32 s1, $0xD;
	s1 =	sshrl.u32 s1, $0x2  }
0xba: {  	s3 =	sand.u32 $0x4000, s31;
	s1 =	sadd.s32 s1, s30  }
0xbb: {  	s0 =	sor.u32 s3, s0;
	s1 =	sshll.u32 s1, $0x11  }
0xbc: {  	s0 =	sor.u32 s1, s0  }
0xbd: {  	s0 =	sadd.s32 $0x8F2B, s0  }
0xbe: {  	[sflag:s0] =	ssyncadd.remote.s32 $0x1  }
0xbf: {  	_ =	sfence.sel $0xFFFF  }
0xc0: {  	[dreg:$0x0] =	wrdreg $0xFFFFFFFF;
	(pc) =	sbr.abs _section_cstart, $3  }
0xc1: {  	[dreg:$0x1] =	wrdreg $0xFFFFFFFF  }
0xc2: {  	_ =	task.clear_ibuf [dreg:s7], $0x2FFFF;
	_ =	strace $0x9FFFFFFF  }
0xc3: {  	(tm) =	ssettm $0x7FFFFFFF  }
tec
execute0_lowered:
.L_overlay_start_1:
0x0: {  	(tag) =	ssettag $0x1  }
0x1: {  	s1 =	rddreg [dreg:$0x0]  }
0x2: {  	s7 =	rddreg [dreg:$0x1]  }
0x3: {  	s3 =	rddreg [dreg:$0x2]  }
0x4: {  	s0 =	srdreg.scid;
	s2 =	rddreg [dreg:$0x3]  }
0x5: {  	s4 =	simm.s32 $0x0;
	s14 =	simm.s32 $0x80;
	s5 =	sand.u32 $0x1, s0  }
0x6: {  	s15 =	simm.s32 $0x4F00;
	s0 =	stileid.u32;
	s6 =	smul.u32 $0x27800, s5  }
0x7: {  	s16 =	simm.s32 $0x6F00;
	s17 =	simm.s32 $0x1;
	s8 =	smul.u32 $0x2780, s0  }
0x8: {  	s18 =	simm.s32 $0x2;
	s19 =	simm.s32 $0x4E80;
	s9 =	smul.u32 $0xA000, s0  }
0x9: {  	s20 =	simm.s32 $0x0;
	[smem:$0x7FF] =	sst s4;
	s10 =	smul.u32 $0xA0000, s5  }
0xa: {  	_ =	strace $0x8000004A;
	s29 =	ssub.s32 $0x2, s5;
	s5 =	sadd.s32 $0xE00, s7  }
0xb: {  	s31 =	sshll.u32 s0, $0x6;
	s30 =	sshrl.u32 s29, $0x1;
	s6 =	sadd.s32 s8, s6  }
0xc: {  	s25 =	sadd.s32 s9, s10;
	s12 =	ssub.s32 s29, s30;
	s13 =	sadd.s32 s9, s3  }
0xd: {  	s6 =	sshrl.u32 s6, $0x3;
	s28 =	sshrl.u32 s25, $0x3;
	s10 =	smax.u32 s12, $0x1  }
0xe: {  	s12 =	simm.s32 $0x3;
	s26 =	sadd.s32 s6, s7;
	s11 =	sadd.s32 s28, s7  }
0xf: {  	s6 =	sor.u32 $0x1C03, s31;
	s7 =	sadd.s32 $0x8C200, s26;
	s8 =	sadd.s32 $0x96000, s26  }
0x10: {  	s9 =	sadd.s32 $0x2200, s11;
	s11 =	sshrl.u32 s13, $0x3;
	s13 =	simm.s32 $0x2780  }
.LBB2_1:
0x11: {  	[spmem:s11], [sflag:s6] =	dma.local [hbm:s5], $0x1400  }
0x12: {  	_ =	swait.ge [sflag:s12], $0x1400  }
0x13: {  	[sflag:s12] =	ssyncset.done $0x0  }
0x14: {  	[sflag:s12] =	ssyncadd.s32 $0xFFFFEC00  }
0x15: {  	[tilespmem:s4], [sflag:$0x3] =	stream.linear.gather [hbm4b:s7+s4], $0x2780, $0x38;
	[tilespmem:$0x12F00] =	vst v63  }
0x16: {  	_ =	swait.ge [sflag:s12], $0x2780  }
0x17: {  	[sflag:s12] =	ssyncset.done $0x0  }
0x18: {  	[sflag:s12] =	ssyncadd.s32 $0xFFFFD880  }
0x19: {  	[tilespmem:s13], [sflag:$0x3] =	stream.linear.gather [hbm4b:s8+s4], $0x2780, $0x38;
	[tilespmem:$0x12F00] =	vst v63  }
0x1a: {  	_ =	swait.ge [sflag:s12], $0x2780  }
0x1b: {  	[sflag:s12] =	ssyncset.done $0x0  }
0x1c: {  	[sflag:s12] =	ssyncadd.s32 $0xFFFFD880  }
0x1d: {  	[bflag:$0x0] =	sbarrier.arrive $0xFFFF  }
0x1e: {  	[tilespmem:s15], [sflag:$0x1] =	stream.indirect.gather [hbm4b:s1+s14], $0x40, s4, s14, $0xb8;
	[tilespmem:$0x12F00] =	vst v63  }
0x1f: {  	s21 =	simm.s32 $0x80  }
0x20: {  	[tilespmem:s16], [sflag:$0x2] =	stream.indirect.gather [hbm4b:s1+s14], $0x40, s21, s14, $0xb8;
	[tilespmem:$0x12F00] =	vst v63  }
0x21: {  	_ =	swait.ge [sflag:s17], $0x2000  }
0x22: {  	[sflag:s17] =	ssyncset.done $0x0  }
0x23: {  	s29 =	simm.s32 $0x2780;
	[sflag:s17] =	ssyncadd.s32 $0xFFFFE000  }
0x24: {  	[spmem:s3] =	stream.indirect.scatter.add.f32 [tilespmem:s15], [sflag:$0x3], $0x40, s29, s14, $0xb8;
	[tilespmem:$0x12F00] =	vst v63  }
0x25: {  	_ =	swait.ge [sflag:s12], $0x2000  }
0x26: {  	[sflag:s12] =	ssyncset.done $0x0  }
0x27: {  	s30 =	simm.s32 $0x100;
	[sflag:s12] =	ssyncadd.s32 $0xFFFFE000  }
0x28: {  	[tilespmem:s15], [sflag:$0x1] =	stream.indirect.gather [hbm4b:s1+s14], $0x40, s30, s14, $0xb8;
	[tilespmem:$0x12F00] =	vst v63  }
0x29: {  	_ =	swait.ge [sflag:s18], $0x2000  }
0x2a: {  	[sflag:s18] =	ssyncset.done $0x0  }
0x2b: {  	s31 =	simm.s32 $0x2800;
	[sflag:s18] =	ssyncadd.s32 $0xFFFFE000  }
0x2c: {  	[spmem:s3] =	stream.indirect.scatter.add.f32 [tilespmem:s16], [sflag:$0x3], $0x40, s31, s14, $0xb8;
	[tilespmem:$0x12F00] =	vst v63  }
0x2d: {  	_ =	swait.ge [sflag:s12], $0x2000  }
0x2e: {  	s22 =	simm.s32 $0x800;
	s21 =	simm.s32 $0x100;
	[sflag:s12] =	ssyncset.done $0x0  }
.LBB2_2:
0x2f: {  	s23 =	sadd.s32 $0x80, s21  }
0x30: {  	[sflag:s12] =	ssyncadd.s32 $0xFFFFE000;
	s24 =	smov.u32 s22;
	s25 =	sadd.s32 $0x400, s22  }
0x31: {  	[tilespmem:s16], [sflag:$0x2] =	stream.indirect.gather [hbm4b:s1+s14], $0x40, s23, s14, $0xb8;
	[tilespmem:$0x12F00] =	vst v63  }
0x32: {  	p0 =	sne.s32 s22, $0x9800;
	_ =	swait.ge [sflag:s17], $0x2000  }
0x33: {  	[sflag:s17] =	ssyncset.done $0x0  }
0x34: {  	s22 =	sadd.s32 $0x2780, s21;
	[sflag:s17] =	ssyncadd.s32 $0xFFFFE000  }
0x35: {  	[spmem:s3] =	stream.indirect.scatter.add.f32 [tilespmem:s15], [sflag:$0x3], $0x40, s22, s14, $0xb8;
	[tilespmem:$0x12F00] =	vst v63  }
0x36: {  	_ =	swait.ge [sflag:s12], $0x2000  }
0x37: {  	[sflag:s12] =	ssyncset.done $0x0  }
0x38: {  	s22 =	sadd.s32 $0x100, s21;
	[sflag:s12] =	ssyncadd.s32 $0xFFFFE000  }
0x39: {  	[tilespmem:s15], [sflag:$0x1] =	stream.indirect.gather [hbm4b:s1+s14], $0x40, s22, s14, $0xb8;
	[tilespmem:$0x12F00] =	vst v63  }
0x3a: {  	_ =	swait.ge [sflag:s18], $0x2000  }
.Ltmp0:
0x3b: {  	[sflag:s18] =	ssyncset.done $0x0;
	(pc) =	sbr.rel @p0 .LBB2_2-.Ltmp0, $4  }
0x3c: {  	s21 =	sadd.s32 $0x2800, s21;
	[sflag:s18] =	ssyncadd.s32 $0xFFFFE000  }
0x3d: {  	[spmem:s3] =	stream.indirect.scatter.add.f32 [tilespmem:s16], [sflag:$0x3], $0x40, s21, s14, $0xb8;
	[tilespmem:$0x12F00] =	vst v63  }
0x3e: {  	_ =	swait.ge [sflag:s12], $0x2000  }
0x3f: {  	s22 =	smov.u32 s25;
	s21 =	sshra.s32 s24, $0x2;
	[sflag:s12] =	ssyncset.done $0x0  }
0x40: {  	s22 =	sadd.s32 $0x80, s21;
	[sflag:s12] =	ssyncadd.s32 $0xFFFFE000  }
0x41: {  	[tilespmem:s16], [sflag:$0x2] =	stream.indirect.gather [hbm4b:s1+s14], $0x40, s22, s14, $0xb8;
	[tilespmem:$0x12F00] =	vst v63  }
0x42: {  	_ =	swait.ge [sflag:s17], $0x2000  }
0x43: {  	[sflag:s17] =	ssyncset.done $0x0  }
0x44: {  	s29 =	sadd.s32 $0x2780, s21;
	[sflag:s17] =	ssyncadd.s32 $0xFFFFE000  }
0x45: {  	[spmem:s3] =	stream.indirect.scatter.add.f32 [tilespmem:s15], [sflag:$0x3], $0x40, s29, s14, $0xb8;
	[tilespmem:$0x12F00] =	vst v63  }
0x46: {  	_ =	swait.ge [sflag:s12], $0x2000  }
0x47: {  	[sflag:s12] =	ssyncset.done $0x0  }
0x48: {  	s30 =	sadd.s32 $0x100, s21;
	[sflag:s12] =	ssyncadd.s32 $0xFFFFE000  }
0x49: {  	[tilespmem:s15], [sflag:$0x1] =	stream.indirect.gather [hbm4b:s1+s14], $0x40, s30, s14, $0xb8;
	[tilespmem:$0x12F00] =	vst v63  }
0x4a: {  	_ =	swait.ge [sflag:s18], $0x2000  }
0x4b: {  	[sflag:s18] =	ssyncset.done $0x0  }
0x4c: {  	s31 =	sadd.s32 $0x2800, s21;
	[sflag:s18] =	ssyncadd.s32 $0xFFFFE000  }
0x4d: {  	[spmem:s3] =	stream.indirect.scatter.add.f32 [tilespmem:s16], [sflag:$0x3], $0x40, s31, s14, $0xb8;
	[tilespmem:$0x12F00] =	vst v63  }
0x4e: {  	_ =	swait.ge [sflag:s12], $0x2000  }
0x4f: {  	[sflag:s12] =	ssyncset.done $0x0  }
0x50: {  	[sflag:s12] =	ssyncadd.s32 $0xFFFFE000  }
0x51: {  	_ =	swait.ge [sflag:s17], $0x2000  }
0x52: {  	[sflag:s17] =	ssyncset.done $0x0  }
0x53: {  	[sflag:s17] =	ssyncadd.s32 $0xFFFFE000  }
0x54: {  	[spmem:s3] =	stream.indirect.scatter.add.f32 [tilespmem:s15], [sflag:$0x3], $0x40, s19, s14, $0xb8;
	[tilespmem:$0x12F00] =	vst v63  }
0x55: {  	_ =	swait.ge [sflag:s12], $0x2000  }
0x56: {  	s20 =	sadd.s32 $0x1, s20;
	[sflag:s12] =	ssyncset.done $0x0  }
0x57: {  	p0 =	sne.s32 s20, s10;
	[sflag:s12] =	ssyncadd.s32 $0xFFFFE000  }
.Ltmp1:
0x58: {  	[bflag:$0x0] =	sbarrier.arrive $0xFFFF;
	(pc) =	sbr.rel @p0 .LBB2_1-.Ltmp1, $4  }
0x59: {  	[hbm:s9], [sflag:s6] =	dma.local [spmem:s11], $0x1400  }
0x5a: {  	_ =	swait.ge [sflag:s12], $0x1400  }
0x5b: {  	[sflag:s12] =	ssyncset.done $0x0  }
0x5c: {  	[sflag:s12] =	ssyncadd.s32 $0xFFFFEC00  }
0x5d: {  	_ =	sfence.sel $0x180000  }
0x5e: {  	[bflag:$0x0] =	sbarrier.arrive $0xFFFF  }
0x5f: {  	p0 =	sne.s32 s0, $0x0;
	_ =	strace $0x9000004A  }
0x60: {  	s0 =	sadd.s32 @!p0 $0x100000, s2;
	[bflag:$0x2] =	sbarrier.arrive $0xFFFF  }
0x61: {  	[sflag:s0] =	ssyncadd.tile.s32 @!p0 $0x1;
	_ =	shalt  }
.Lfunc_end2:
_tile_overlayer_lowered:
.L_overlay_start_2:
0x62: {  	(tag) =	ssettag $0x2  }
0x63: {  	s0 =	rddreg [dreg:$0x0];
	s2 =	stileid.u32  }
0x64: {  	s1 =	rddreg [dreg:$0x1];
	p0 =	sne.s32 s2, $0x0  }
0x65: {  	s3 =	rddreg [dreg:$0x2];
	[bflag:$0x3] =	sbarrier.arrive $0xFFFF;
	s2 =	simm.s32 @!p0 $0x1C03  }
0x66: {  	[timem:s3], [sflag:s2] =	dma.local @!p0 [hbm:s0], s1  }
0x67: {  	s0 =	simm.s32 @!p0 $0x3  }
0x68: {  	_ =	swait.ge @!p0 [sflag:s0], s1  }
0x69: {  	s1 =	ssub.s32 @!p0 $0x0, s1;
	[sflag:s0] =	ssyncset.done @!p0 $0x0  }
0x6a: {  	[sflag:s0] =	ssyncadd.s32 @!p0 s1  }
0x6b: {  	[bflag:$0x3] =	sbarrier.arrive $0xFFFF  }
0x6c: {  	_ =	shalt  }

// kernel: kernel.7.cloned.1.call-start
scs
__scs_entry_jumppad:
0x0: {  	(pc) =	sbr.rel $0x88, $3  }
0x1: {  	(tag) =	ssettag $0x0;
	lr =	simm.s32 $0x1  }
0x2: {  	[smem:$0x3F9D] =	sst lr;
	_ =	strace $0xD0000000  }
0x3: {  	_ = 	snop  }
0x4: {  	_ = 	snop  }
0x5: {  	_ = 	snop  }
0x6: {  	_ = 	snop  }
0x7: {  	_ = 	snop  }
__scs_overlays_trampoline_lowered:
0x8: {  	[smem:$0x3FAC] =	sst s0  }
0x9: {  	[smem:$0x3FAD] =	sst s1  }
0xa: {  	[smem:$0x3FAE] =	sst s2  }
0xb: {  	[smem:$0x3FAF] =	sst s3  }
0xc: {  	[smem:$0x3FB0] =	sst s4  }
0xd: {  	[smem:$0x3FB1] =	sst s5  }
0xe: {  	[smem:$0x3FB2] =	sst s6  }
0xf: {  	[smem:$0x3FB3] =	sst s7  }
0x10: {  	[smem:$0x3FB4] =	sst s8  }
0x11: {  	[smem:$0x3FB5] =	sst s9;
	s0 =	simm.s32 @!p0 $0x0  }
0x12: {  	s1 =	sld [smem:$0x3F9B];
	s0 =	simm.s32 @p0 $0x1  }
0x13: {  	[smem:$0x3FB6] =	sst s0;
	s0 =	simm.s32 @!p1 $0x0  }
0x14: {  	s2 =	sld [smem:$0x3F9A];
	s0 =	simm.s32 @p1 $0x1  }
0x15: {  	[smem:$0x3FB7] =	sst s0;
	s0 =	simm.s32 @!p2 $0x0  }
0x16: {  	s3 =	sld [smem:$0x3FDB];
	s0 =	simm.s32 @p2 $0x1  }
0x17: {  	s4 =	simm.s32 $0x1BF5;
	[smem:$0x3FB9] =	sst s0  }
0x18: {  	s0 =	sld [smem:$0x3F9C];
	_ =	swait.ge [sflag:s4], $0x0  }
0x19: {  	s7 =	sld [smem:$0x3F9D]  }
0x1a: {  	s8 =	sadd.s32 $0xFFFFE003, lr  }
0x1b: {  	s9 =	sadd.s32 $0xFFFFFEF7, lr;
	s5 =	simm.s32 $0xFFFFFFFF;
	p2 =	slt.u32 s8, $0xFFFFF086  }
0x1c: {  	p1 =	slt.u32 s9, $0xF7A;
	s5 =	simm.s32 @!p2 $0x0  }
0x1d: {  	s5 =	simm.s32 @p1 $0x1;
	p0 =	seq.s32 s7, s2  }
0x1e: {  	s7 =	smul.u32 @!p0 $0xF7A, s2;
	p2 =	seq.s32 @!p0 s5, $0x0  }
0x1f: {  	s9 =	smul.u32 $0xF7A, s1;
	s8 =	simm.s32 @!p0 $0x1BF5;
	p2 =	por !p2, p0  }
0x20: {  	[sflag:s8] =	ssyncset.s32 @!p0 $0xFFFFF086;
	s6 =	sadd.s32 @!p0 s3, s7;
	s7 =	simm.s32 @!p0 $0x108  }
0x21: {  	s3 =	sadd.s32 s3, s9;
	s6 =	sadd.s32 @!p0 $0x88, s6;
	s7 =	simm.s32 @p2 $0x1082  }
0x22: {  	[simem:s7], [sflag:s8] =	dma.local @!p0 [hbm:s6], $0xF7A  }
0x23: {  	s9 =	sor.u32 $0xD0000000, s2;
	s6 =	simm.s32 $0x108;
	_ =	swait.ge @!p0 [sflag:s8], $0x0  }
0x24: {  	s3 =	sadd.s32 $0x88, s3;
	s6 =	simm.s32 @!p1 $0x1082;
	[sflag:s4] =	ssyncset.s32 $0xFFFFF086  }
0x25: {  	[simem:s6], [sflag:s4] =	dma.local [hbm:s3], $0xF7A  }
0x26: {  	[smem:$0x3F9D] =	sst s1;
	(tag) =	ssettag s2;
	_ =	strace s9  }
0x27: {  	s1 =	sld [smem:$0x3FAD]  }
0x28: {  	s2 =	sld [smem:$0x3FAE]  }
0x29: {  	s4 =	sld [smem:$0x3FB0]  }
0x2a: {  	p0 =	seq.s32 s5, $0x0;
	s5 =	sld [smem:$0x3FB1]  }
0x2b: {  	s6 =	sld [smem:$0x3FB2]  }
0x2c: {  	s7 =	sld [smem:$0x3FB3]  }
0x2d: {  	s3 =	simm.s32 $0x108;
	s8 =	sld [smem:$0x3FB4]  }
0x2e: {  	s3 =	simm.s32 @!p0 $0x1082;
	s9 =	sld [smem:$0x3FB5]  }
0x2f: {  	lr =	sadd.s32 s0, s3;
	s0 =	sld [smem:$0x3FAC]  }
0x30: {  	s3 =	sld [smem:$0x3FAF]  }
0x31: {  	[smem:$0x3FB8] =	sst s10  }
0x32: {  	s10 =	sld [smem:$0x3FB6];
	_ =	sdelay $0x3  }
0x33: {  	p0 =	seq.s32 s10, $0x1;
	s10 =	sld [smem:$0x3FB8];
	_ =	sdelay $0x3  }
0x34: {  	[smem:$0x3FB8] =	sst s10  }
0x35: {  	s10 =	sld [smem:$0x3FB7];
	_ =	sdelay $0x3  }
0x36: {  	p1 =	seq.s32 s10, $0x1;
	s10 =	sld [smem:$0x3FB8];
	_ =	sdelay $0x3  }
0x37: {  	[smem:$0x3FB8] =	sst s10  }
0x38: {  	s10 =	sld [smem:$0x3FB9]  }
0x39: {  	_ = 	snop;
	(pc) =	sbr.ind lr, $3  }
0x3a: {  	_ = 	snop  }
0x3b: {  	_ = 	snop  }
0x3c: {  	p2 =	seq.s32 s10, $0x1;
	s10 =	sld [smem:$0x3FB8]  }
0x3d: {  	_ =	shalt  }
0x3e: {  	_ =	shalt  }
0x3f: {  	_ =	shalt  }
0x40: {  	_ =	shalt  }
0x41: {  	_ =	shalt  }
0x42: {  	_ =	shalt  }
0x43: {  	_ =	shalt  }
0x44: {  	_ =	shalt  }
0x45: {  	_ =	shalt  }
0x46: {  	_ =	shalt  }
0x47: {  	_ =	shalt  }
0x48: {  	_ =	shalt  }
0x49: {  	_ =	shalt  }
0x4a: {  	_ =	shalt  }
0x4b: {  	_ =	shalt  }
0x4c: {  	_ =	shalt  }
0x4d: {  	_ =	shalt  }
0x4e: {  	_ =	shalt  }
0x4f: {  	_ =	shalt  }
0x50: {  	_ =	shalt  }
0x51: {  	_ =	shalt  }
0x52: {  	_ =	shalt  }
0x53: {  	_ =	shalt  }
0x54: {  	_ =	shalt  }
0x55: {  	_ =	shalt  }
0x56: {  	_ =	shalt  }
0x57: {  	_ =	shalt  }
0x58: {  	_ =	shalt  }
0x59: {  	_ =	shalt  }
0x5a: {  	_ =	shalt  }
0x5b: {  	_ =	shalt  }
0x5c: {  	_ =	shalt  }
0x5d: {  	_ =	shalt  }
0x5e: {  	_ =	shalt  }
0x5f: {  	_ =	shalt  }
0x60: {  	_ =	shalt  }
0x61: {  	_ =	shalt  }
0x62: {  	_ =	shalt  }
0x63: {  	_ =	shalt  }
0x64: {  	_ =	shalt  }
0x65: {  	_ =	shalt  }
0x66: {  	_ =	shalt  }
0x67: {  	_ =	shalt  }
0x68: {  	_ =	shalt  }
0x69: {  	_ =	shalt  }
0x6a: {  	_ =	shalt  }
0x6b: {  	_ =	shalt  }
0x6c: {  	_ =	shalt  }
0x6d: {  	_ =	shalt  }
0x6e: {  	_ =	shalt  }
0x6f: {  	_ =	shalt  }
0x70: {  	_ =	shalt  }
0x71: {  	_ =	shalt  }
0x72: {  	_ =	shalt  }
0x73: {  	_ =	shalt  }
0x74: {  	_ =	shalt  }
0x75: {  	_ =	shalt  }
0x76: {  	_ =	shalt  }
0x77: {  	_ =	shalt  }
0x78: {  	_ =	shalt  }
0x79: {  	_ =	shalt  }
0x7a: {  	_ =	shalt  }
0x7b: {  	_ =	shalt  }
0x7c: {  	_ =	shalt  }
0x7d: {  	_ =	shalt  }
0x7e: {  	_ =	shalt  }
0x7f: {  	_ =	shalt  }
0x80: {  	_ =	shalt  }
0x81: {  	_ =	shalt  }
0x82: {  	_ =	shalt  }
0x83: {  	_ =	shalt  }
0x84: {  	_ =	shalt  }
0x85: {  	_ =	shalt  }
0x86: {  	_ =	shalt  }
0x87: {  	_ =	shalt  }
.Lfunc_end0:
.L_simem_size_0:
called_computation_lowered:
.L_overlay_start_0:
0x88: {  	s2 =	sld [smem:$0x3FD9]  }
0x89: {  	s3 =	sld [smem:$0x3FFE];
	_ =	sdelay $0x1  }
0x8a: {  	s1 =	srdreg.scid  }
0x8b: {  	s0 =	sand.u32 $0x1, s1  }
0x8c: {  	s17 =	sshll.u32 s0, $0xA;
	s2 =	sadd.s32 s3, s2  }
0x8d: {  	s2 =	sadd.s32 s2, s17  }
0x8e: {  	[smem:$0x3FC4] =	sst s2  }
0x8f: {  	_ = 	snop  }
0x90: {  	s2 =	sld [smem:$0x3FD0];
	(tm) =	ssettm $0x1  }
0x91: {  	s18 =	sld [smem:$0x3FFB];
	_ =	sdelay $0x3  }
0x92: {  	_ =	strace s18  }
0x93: {  	s3 =	sld [smem:$0x3FFC];
	_ =	sdelay $0x3  }
0x94: {  	_ =	strace s3  }
0x95: {  	s3 =	sld [smem:$0x3FFD];
	_ =	sdelay $0x3  }
0x96: {  	_ =	strace s3  }
0x97: {  	_ =	strace $0x8FFFFFFF  }
0x98: {  	s19 =	sld [smem:$0x3FDB];
	_ =	sdelay $0x1  }
0x99: {  	s4 =	simm.s32 $_scs_section_size  }
0x9a: {  	s5 =	simm.s32 $_size__tile_overlayer_lowered;
	s6 =	simm.s32 $_tile_overlayer_lowered  }
0x9b: {  	s22 =	simm.s32 $0x1BFF;
	s21 =	sshll.u32 s6, $0x1;
	s3 =	sadd.s32 s4, s19  }
0x9c: {  	s7 =	simm.s32 $0x0;
	s20 =	sshll.u32 s5, $0x1;
	s5 =	sadd.s32 s21, s3  }
0x9d: {  	[timem:s7], [sflag:s22] =	dma.local [hbm:s5], s20  }
0x9e: {  	_ =	swait.ge [sflag:s22], s20  }
0x9f: {  	s4 =	ssub.s32 $0x0, s20;
	[sflag:s22] =	ssyncset.done $0x0  }
0xa0: {  	[sflag:s22] =	ssyncadd.s32 s4;
	_ =	sdelay $0x1  }
0xa1: {  	s23 =	simm.s32 $0x1B8B  }
0xa2: {  	_ =	swait.ge [sflag:s23], $0x1  }
0xa3: {  	[sflag:s23] =	ssyncset.done $0x0  }
0xa4: {  	s25 =	simm.s32 $0x1B8E;
	s24 =	sld [smem:$0x3FFE];
	[sflag:s23] =	ssyncadd.s32 $0xFFFFFFFF  }
0xa5: {  	s26 =	simm.s32 $execute0_lowered;
	[smem:$0x3FD2] =	sst s25  }
0xa6: {  	s5 =	sshll.u32 s26, $0x1;
	_ =	strace $0x80000046;
	[dreg:$0x1] =	wrdreg $0xFFFFFFFF  }
0xa7: {  	s28 =	simm.s32 $_size_execute0_lowered;
	s3 =	sadd.s32 s3, s5;
	[dreg:$0x0] =	wrdreg $0x0  }
0xa8: {  	s5 =	sshll.u32 s28, $0x1;
	[dreg:$0x2] =	wrdreg s3  }
0xa9: {  	[dreg:$0x3] =	wrdreg s5  }
0xaa: {  	[dreg:$0x4] =	wrdreg $0xC0  }
0xab: {  	_ =	task [dreg:s7], $0x5FFFF  }
0xac: {  	[dreg:$0x1] =	wrdreg $0xFFFFFFFF  }
0xad: {  	[dreg:$0x0] =	wrdreg $0x60  }
0xae: {  	[dreg:$0x2] =	wrdreg s24  }
0xaf: {  	[dreg:$0x3] =	wrdreg s2  }
0xb0: {  	[dreg:$0x4] =	wrdreg $0xA3200  }
0xb1: {  	[dreg:$0x5] =	wrdreg $0x9  }
0xb2: {  	_ =	task.clear_ibuf [dreg:s7], $0x6FFFF;
	_ =	strace $0x90000046  }
0xb3: {  	s29 =	simm.s32 $0x9;
	_ =	strace $0x80000048  }
0xb4: {  	_ =	swait.ge [sflag:s29], $0x1  }
0xb5: {  	[sflag:s29] =	ssyncadd.s32 $0xFFFFFFFF  }
0xb6: {  	_ =	strace $0x90000048  }
0xb7: {  	_ =	sfence  }
0xb8: {  	s30 =	sld [smem:$0x0];
	_ =	sdelay $0x2  }
0xb9: {  	s31 =	sshll.u32 s1, $0xD;
	s1 =	sshrl.u32 s1, $0x2  }
0xba: {  	s3 =	sand.u32 $0x4000, s31;
	s1 =	sadd.s32 s1, s30  }
0xbb: {  	s0 =	sor.u32 s3, s0;
	s1 =	sshll.u32 s1, $0x11  }
0xbc: {  	s0 =	sor.u32 s1, s0  }
0xbd: {  	s0 =	sadd.s32 $0x8F2B, s0  }
0xbe: {  	[sflag:s0] =	ssyncadd.remote.s32 $0x1  }
0xbf: {  	_ =	sfence.sel $0xFFFF  }
0xc0: {  	[dreg:$0x0] =	wrdreg $0xFFFFFFFF;
	(pc) =	sbr.abs _section_cstart, $3  }
0xc1: {  	[dreg:$0x1] =	wrdreg $0xFFFFFFFF  }
0xc2: {  	_ =	task.clear_ibuf [dreg:s7], $0x2FFFF;
	_ =	strace $0x9FFFFFFF  }
0xc3: {  	(tm) =	ssettm $0x7FFFFFFF  }
tec
execute0_lowered:
.L_overlay_start_1:
0x0: {  	(tag) =	ssettag $0x1  }
0x1: {  	s6 =	rddreg [dreg:$0x0]  }
0x2: {  	s8 =	rddreg [dreg:$0x1]  }
0x3: {  	s2 =	rddreg [dreg:$0x2]  }
0x4: {  	s0 =	srdreg.scid;
	s1 =	rddreg [dreg:$0x3];
	s3 =	simm.s32 $0x0  }
0x5: {  	s15 =	simm.s32 $0x4E20;
	s16 =	simm.s32 $0x78A0;
	s5 =	sand.u32 $0x1, s0  }
0x6: {  	s17 =	simm.s32 $0x1;
	s0 =	stileid.u32;
	s4 =	smul.u32 $0x27100, s5  }
0x7: {  	s18 =	simm.s32 $0x2;
	s19 =	simm.s32 $0x4DD0;
	s7 =	smul.u32 $0x2710, s0  }
0x8: {  	s20 =	simm.s32 $0x0;
	[smem:$0x7FF] =	sst s3;
	s9 =	smul.u32 $0x15400, s0  }
0x9: {  	s10 =	smul.u32 $0x154000, s5;
	_ =	strace $0x80000047;
	s12 =	ssub.s32 $0x2, s5  }
0xa: {  	s5 =	sadd.s32 $0x34600, s6;
	s31 =	sshll.u32 s0, $0x6;
	s30 =	sshrl.u32 s12, $0x1  }
0xb: {  	s7 =	sadd.s32 s7, s4;
	s4 =	sadd.s32 $0xE00, s6;
	s28 =	sadd.s32 s9, s10  }
0xc: {  	s12 =	ssub.s32 s12, s30;
	s14 =	sadd.s32 s9, s2;
	s11 =	sshrl.u32 s7, $0x3  }
0xd: {  	s7 =	sshrl.u32 s28, $0x3;
	s10 =	smax.u32 s12, $0x1;
	s12 =	simm.s32 $0x3  }
0xe: {  	s29 =	sadd.s32 s11, s6;
	s13 =	sadd.s32 s7, s6;
	s6 =	sor.u32 $0x1C03, s31  }
0xf: {  	s8 =	sadd.s32 s8, s11;
	s11 =	sshrl.u32 s14, $0x3;
	s14 =	simm.s32 $0x50  }
0x10: {  	s7 =	sadd.s32 $0x2A800, s29;
	s9 =	sadd.s32 $0x37200, s13;
	s13 =	simm.s32 $0x2710  }
.LBB2_1:
0x11: {  	[spmem:s11], [sflag:s6] =	dma.local [hbm:s5], $0x2A80  }
0x12: {  	_ =	swait.ge [sflag:s12], $0x2A80  }
0x13: {  	[sflag:s12] =	ssyncset.done $0x0  }
0x14: {  	[sflag:s12] =	ssyncadd.s32 $0xFFFFD580  }
0x15: {  	[tilespmem:s3], [sflag:$0x3] =	stream.linear.gather [hbm4b:s7+s3], $0x2710, $0x38;
	[tilespmem:$0x1F720] =	vst v63  }
0x16: {  	_ =	swait.ge [sflag:s12], $0x2710  }
0x17: {  	[sflag:s12] =	ssyncset.done $0x0  }
0x18: {  	[sflag:s12] =	ssyncadd.s32 $0xFFFFD8F0  }
0x19: {  	[tilespmem:s13], [sflag:$0x3] =	stream.linear.gather [hbm4b:s8+s3], $0x2710, $0x38;
	[tilespmem:$0x1F720] =	vst v63  }
0x1a: {  	_ =	swait.ge [sflag:s12], $0x2710  }
0x1b: {  	[sflag:s12] =	ssyncset.done $0x0  }
0x1c: {  	[sflag:s12] =	ssyncadd.s32 $0xFFFFD8F0  }
0x1d: {  	[bflag:$0x0] =	sbarrier.arrive $0xFFFF  }
0x1e: {  	[tilespmem:s15], [sflag:$0x1] =	stream.indirect.gather [hbm4b:s4+s14], $0x88, s3, s14, $0xb8;
	[tilespmem:$0x1F720] =	vst v63  }
0x1f: {  	s21 =	simm.s32 $0x50  }
0x20: {  	[tilespmem:s16], [sflag:$0x2] =	stream.indirect.gather [hbm4b:s4+s14], $0x88, s21, s14, $0xb8;
	[tilespmem:$0x1F720] =	vst v63  }
0x21: {  	_ =	swait.ge [sflag:s17], $0x2A80  }
0x22: {  	[sflag:s17] =	ssyncset.done $0x0  }
0x23: {  	s29 =	simm.s32 $0x2710;
	[sflag:s17] =	ssyncadd.s32 $0xFFFFD580  }
0x24: {  	[spmem:s2] =	stream.indirect.scatter.add.f32 [tilespmem:s15], [sflag:$0x3], $0x88, s29, s14, $0xb8;
	[tilespmem:$0x1F720] =	vst v63  }
0x25: {  	_ =	swait.ge [sflag:s12], $0x2A80  }
0x26: {  	[sflag:s12] =	ssyncset.done $0x0  }
0x27: {  	s30 =	simm.s32 $0xA0;
	[sflag:s12] =	ssyncadd.s32 $0xFFFFD580  }
0x28: {  	[tilespmem:s15], [sflag:$0x1] =	stream.indirect.gather [hbm4b:s4+s14], $0x88, s30, s14, $0xb8;
	[tilespmem:$0x1F720] =	vst v63  }
0x29: {  	_ =	swait.ge [sflag:s18], $0x2A80  }
0x2a: {  	[sflag:s18] =	ssyncset.done $0x0  }
0x2b: {  	s31 =	simm.s32 $0x2760;
	[sflag:s18] =	ssyncadd.s32 $0xFFFFD580  }
0x2c: {  	[spmem:s2] =	stream.indirect.scatter.add.f32 [tilespmem:s16], [sflag:$0x3], $0x88, s31, s14, $0xb8;
	[tilespmem:$0x1F720] =	vst v63  }
0x2d: {  	_ =	swait.ge [sflag:s12], $0x2A80  }
0x2e: {  	s22 =	simm.s32 $0x500;
	s21 =	simm.s32 $0xA0;
	[sflag:s12] =	ssyncset.done $0x0  }
.LBB2_2:
0x2f: {  	s23 =	sadd.s32 $0x50, s21  }
0x30: {  	[sflag:s12] =	ssyncadd.s32 $0xFFFFD580;
	s24 =	smov.u32 s22;
	s25 =	sadd.s32 $0x280, s22  }
0x31: {  	[tilespmem:s16], [sflag:$0x2] =	stream.indirect.gather [hbm4b:s4+s14], $0x88, s23, s14, $0xb8;
	[tilespmem:$0x1F720] =	vst v63  }
0x32: {  	p0 =	sne.s32 s22, $0x9880;
	_ =	swait.ge [sflag:s17], $0x2A80  }
0x33: {  	[sflag:s17] =	ssyncset.done $0x0  }
0x34: {  	s22 =	sadd.s32 $0x2710, s21;
	[sflag:s17] =	ssyncadd.s32 $0xFFFFD580  }
0x35: {  	[spmem:s2] =	stream.indirect.scatter.add.f32 [tilespmem:s15], [sflag:$0x3], $0x88, s22, s14, $0xb8;
	[tilespmem:$0x1F720] =	vst v63  }
0x36: {  	_ =	swait.ge [sflag:s12], $0x2A80  }
0x37: {  	[sflag:s12] =	ssyncset.done $0x0  }
0x38: {  	s22 =	sadd.s32 $0xA0, s21;
	[sflag:s12] =	ssyncadd.s32 $0xFFFFD580  }
0x39: {  	[tilespmem:s15], [sflag:$0x1] =	stream.indirect.gather [hbm4b:s4+s14], $0x88, s22, s14, $0xb8;
	[tilespmem:$0x1F720] =	vst v63  }
0x3a: {  	_ =	swait.ge [sflag:s18], $0x2A80  }
.Ltmp0:
0x3b: {  	[sflag:s18] =	ssyncset.done $0x0;
	(pc) =	sbr.rel @p0 .LBB2_2-.Ltmp0, $4  }
0x3c: {  	s21 =	sadd.s32 $0x2760, s21;
	[sflag:s18] =	ssyncadd.s32 $0xFFFFD580  }
0x3d: {  	[spmem:s2] =	stream.indirect.scatter.add.f32 [tilespmem:s16], [sflag:$0x3], $0x88, s21, s14, $0xb8;
	[tilespmem:$0x1F720] =	vst v63  }
0x3e: {  	_ =	swait.ge [sflag:s12], $0x2A80  }
0x3f: {  	s22 =	smov.u32 s25;
	s21 =	sshra.s32 s24, $0x2;
	[sflag:s12] =	ssyncset.done $0x0  }
0x40: {  	s22 =	sadd.s32 $0x50, s21;
	[sflag:s12] =	ssyncadd.s32 $0xFFFFD580  }
0x41: {  	[tilespmem:s16], [sflag:$0x2] =	stream.indirect.gather [hbm4b:s4+s14], $0x88, s22, s14, $0xb8;
	[tilespmem:$0x1F720] =	vst v63  }
0x42: {  	_ =	swait.ge [sflag:s17], $0x2A80  }
0x43: {  	[sflag:s17] =	ssyncset.done $0x0  }
0x44: {  	s29 =	sadd.s32 $0x2710, s21;
	[sflag:s17] =	ssyncadd.s32 $0xFFFFD580  }
0x45: {  	[spmem:s2] =	stream.indirect.scatter.add.f32 [tilespmem:s15], [sflag:$0x3], $0x88, s29, s14, $0xb8;
	[tilespmem:$0x1F720] =	vst v63  }
0x46: {  	_ =	swait.ge [sflag:s12], $0x2A80  }
0x47: {  	[sflag:s12] =	ssyncset.done $0x0  }
0x48: {  	s30 =	sadd.s32 $0xA0, s21;
	[sflag:s12] =	ssyncadd.s32 $0xFFFFD580  }
0x49: {  	[tilespmem:s15], [sflag:$0x1] =	stream.indirect.gather [hbm4b:s4+s14], $0x88, s30, s14, $0xb8;
	[tilespmem:$0x1F720] =	vst v63  }
0x4a: {  	_ =	swait.ge [sflag:s18], $0x2A80  }
0x4b: {  	[sflag:s18] =	ssyncset.done $0x0  }
0x4c: {  	s31 =	sadd.s32 $0x2760, s21;
	[sflag:s18] =	ssyncadd.s32 $0xFFFFD580  }
0x4d: {  	[spmem:s2] =	stream.indirect.scatter.add.f32 [tilespmem:s16], [sflag:$0x3], $0x88, s31, s14, $0xb8;
	[tilespmem:$0x1F720] =	vst v63  }
0x4e: {  	_ =	swait.ge [sflag:s12], $0x2A80  }
0x4f: {  	[sflag:s12] =	ssyncset.done $0x0  }
0x50: {  	[sflag:s12] =	ssyncadd.s32 $0xFFFFD580  }
0x51: {  	_ =	swait.ge [sflag:s17], $0x2A80  }
0x52: {  	[sflag:s17] =	ssyncset.done $0x0  }
0x53: {  	[sflag:s17] =	ssyncadd.s32 $0xFFFFD580  }
0x54: {  	[spmem:s2] =	stream.indirect.scatter.add.f32 [tilespmem:s15], [sflag:$0x3], $0x88, s19, s14, $0xb8;
	[tilespmem:$0x1F720] =	vst v63  }
0x55: {  	_ =	swait.ge [sflag:s12], $0x2A80  }
0x56: {  	s20 =	sadd.s32 $0x1, s20;
	[sflag:s12] =	ssyncset.done $0x0  }
0x57: {  	p0 =	sne.s32 s20, s10;
	[sflag:s12] =	ssyncadd.s32 $0xFFFFD580  }
.Ltmp1:
0x58: {  	[bflag:$0x0] =	sbarrier.arrive $0xFFFF;
	(pc) =	sbr.rel @p0 .LBB2_1-.Ltmp1, $4  }
0x59: {  	[hbm:s9], [sflag:s6] =	dma.local [spmem:s11], $0x2A80  }
0x5a: {  	_ =	swait.ge [sflag:s12], $0x2A80  }
0x5b: {  	[sflag:s12] =	ssyncset.done $0x0  }
0x5c: {  	[sflag:s12] =	ssyncadd.s32 $0xFFFFD580  }
0x5d: {  	_ =	sfence.sel $0x180000  }
0x5e: {  	[bflag:$0x0] =	sbarrier.arrive $0xFFFF  }
0x5f: {  	p0 =	sne.s32 s0, $0x0;
	_ =	strace $0x90000047  }
0x60: {  	s0 =	sadd.s32 @!p0 $0x100000, s1;
	[bflag:$0x2] =	sbarrier.arrive $0xFFFF  }
0x61: {  	[sflag:s0] =	ssyncadd.tile.s32 @!p0 $0x1;
	_ =	shalt  }
.Lfunc_end2:
_tile_overlayer_lowered:
.L_overlay_start_2:
0x62: {  	(tag) =	ssettag $0x2  }
0x63: {  	s0 =	rddreg [dreg:$0x0];
	s2 =	stileid.u32  }
0x64: {  	s1 =	rddreg [dreg:$0x1];
	p0 =	sne.s32 s2, $0x0  }
0x65: {  	s3 =	rddreg [dreg:$0x2];
	[bflag:$0x3] =	sbarrier.arrive $0xFFFF;
	s2 =	simm.s32 @!p0 $0x1C03  }
0x66: {  	[timem:s3], [sflag:s2] =	dma.local @!p0 [hbm:s0], s1  }
0x67: {  	s0 =	simm.s32 @!p0 $0x3  }
0x68: {  	_ =	swait.ge @!p0 [sflag:s0], s1  }
0x69: {  	s1 =	ssub.s32 @!p0 $0x0, s1;
	[sflag:s0] =	ssyncset.done @!p0 $0x0  }
0x6a: {  	[sflag:s0] =	ssyncadd.s32 @!p0 s1  }
0x6b: {  	[bflag:$0x3] =	sbarrier.arrive $0xFFFF  }
0x6c: {  	_ =	shalt  }

</sc_bundles>
